<compile_context>
chip_gen: v7x
topology: tpu7x:2x2x1
jax: 0.10.2.dev20260603
libtpu: 0.0.44.dev20260713+nightly
codegen_flags: <defaults>
</compile_context>

<pallas_src>
import functools

import jax
import jax.numpy as jnp
from jax import lax
from jax.experimental import pallas as pl
from jax.experimental.pallas import tpu as pltpu
from jax.experimental.pallas import tpu_sc as plsc

_info = plsc.get_sparse_core_info()
_NC, _NS = _info.num_cores, _info.num_subcores
_NW = _NC * _NS


def _make_gather(V, D, B, C=16, NBUF=4):
    assert B % (8 * _NW) == 0
    b_per_w = B // _NW
    assert b_per_w % (C * NBUF) == 0
    n_chunks = b_per_w // C
    mesh = plsc.VectorSubcoreMesh(core_axis_name="c", subcore_axis_name="s")

    @functools.partial(
        pl.kernel,
        mesh=mesh,
        out_type=jax.ShapeDtypeStruct((B, D), jnp.float32),
        scratch_types=[
            pltpu.VMEM((b_per_w,), jnp.int32),
        ]
        + [pltpu.VMEM((C, D), jnp.float32) for _ in range(NBUF)]
        + [pltpu.SemaphoreType.DMA((NBUF,)), pltpu.SemaphoreType.DMA((NBUF,))],
    )
    def gather_kernel(table_hbm, idx_hbm, out_hbm, idx_v, *rest):
        bufs, (gsem, osem) = rest[:NBUF], rest[NBUF:]
        wid = lax.axis_index("c") * _NS + lax.axis_index("s")
        base = wid * b_per_w
        pltpu.sync_copy(idx_hbm.at[pl.ds(base, b_per_w)], idx_v)

        def gather_dma(chunk, j):
            return pltpu.make_async_copy(
                table_hbm.at[idx_v.at[pl.ds(chunk * C, C)]], bufs[j], gsem.at[j]
            )

        def out_dma(chunk, j):
            return pltpu.make_async_copy(
                bufs[j], out_hbm.at[pl.ds(base + chunk * C, C)], osem.at[j]
            )

        K = NBUF - 2

        for c in range(K):
            gather_dma(c, c % NBUF).start()
        for c in range(K):
            gather_dma(c, c % NBUF).wait()
            out_dma(c, c % NBUF).start()
            if c + K - NBUF >= 0:
                out_dma(c + K - NBUF, (c + K) % NBUF).wait()
            gather_dma(c + K, (c + K) % NBUF).start()

        def group_body(g, carry):
            for jp in range(NBUF):
                c = K + g * NBUF + jp
                jb = (K + jp) % NBUF
                gather_dma(c, jb).wait()
                out_dma(c, jb).start()
                jn = (2 * K + jp) % NBUF
                out_dma(c + K - NBUF, jn).wait()
                gather_dma(c + K, jn).start()
            return carry

        assert (n_chunks - 2 * K) % NBUF == 0
        lax.fori_loop(0, (n_chunks - 2 * K) // NBUF, group_body, 0)

        for c in range(n_chunks - K, n_chunks):
            gather_dma(c, c % NBUF).wait()
            out_dma(c, c % NBUF).start()
        for c in range(n_chunks - NBUF, n_chunks):
            out_dma(c, c % NBUF).wait()

    return gather_kernel


def kernel(position_ids, table):
    Bt, S = position_ids.shape
    V, D = table.shape
    idx = position_ids.reshape(Bt * S).astype(jnp.int32)
    out = _make_gather(V, D, Bt * S)(table, idx)
    return out.reshape(Bt, S, D)

# --- scband reference (transcript-rebuilt; emitter-appended) ---
"""Pipeline reference for scband-sinusoidal-position-encoding-41944650613157 (READ-ONLY COPY).

The authoritative reference and input builder live on the scoring server;
editing this copy changes nothing except your own understanding.
"""

import jax, jax.numpy as jnp
import numpy as np
import math

MAX_POSITION = 8192
EMBEDDING_SIZE = 1024

def get_sinusoid_encoding_table(n_position, d_hid):
    position = np.arange(0, n_position, dtype=np.float32)[:, None]
    div_term = np.exp(np.arange(0, d_hid, 2, dtype=np.float32) * (-math.log(10000.0) / d_hid))
    table = np.zeros((n_position, d_hid), dtype=np.float32)
    table[:, 0::2] = np.sin(position * div_term)
    table[:, 1::2] = np.cos(position * div_term)
    return jnp.asarray(table)

def setup_inputs(seed: int = 0) -> dict:
    key = jax.random.key(seed)
    position_ids = jax.random.randint(key, (4, 8192), 0, MAX_POSITION, dtype=jnp.int64 if jax.config.jax_enable_x64 else jnp.int32)
    table = get_sinusoid_encoding_table(MAX_POSITION, EMBEDDING_SIZE)
    return {"position_ids": position_ids, "table": table}

def reference(position_ids, table):
    # Embedding lookup: table[position_ids] -> [B, S, d_hid]
    return jnp.take(table, position_ids, axis=0)

if __name__ == "__main__":
    import jax
    _d = setup_inputs()
    print(jax.jit(kernel)(*tuple(_d.values())))

</pallas_src>

<mosaic_0001>
#map = affine_map<(d0, d1) -> (0, 0)>
#map1 = affine_map<(d0, d1) -> (0)>
module attributes {stable_mosaic.version = 14 : i64} {
  func.func @gather_kernel(%arg0: i32, %arg1: i32, %arg2: memref<8192x1024xf32, #tpu.memory_space<hbm>>, %arg3: memref<32768xi32, #tpu.memory_space<hbm>>, %arg4: memref<32768x1024xf32, #tpu.memory_space<hbm>>, %arg5: memref<1024xi32, #tpu.memory_space<vmem>>, %arg6: memref<16x1024xf32, #tpu.memory_space<vmem>>, %arg7: memref<16x1024xf32, #tpu.memory_space<vmem>>, %arg8: memref<16x1024xf32, #tpu.memory_space<vmem>>, %arg9: memref<16x1024xf32, #tpu.memory_space<vmem>>, %arg10: memref<4x!tpu.dma_semaphore, #tpu.memory_space<semaphore_mem>>, %arg11: memref<4x!tpu.dma_semaphore, #tpu.memory_space<semaphore_mem>>) attributes {dimension_semantics = [#tpu.dimension_semantics<core_parallel>, #tpu.dimension_semantics<subcore_parallel>], iteration_bounds = array<i64: 2, 16>, scalar_prefetch = 0 : i64, scratch_operands = 7 : i64, tpu.core_type = #tpu.core_type<sc_vector_subcore>, window_params = [{transform_indices = #map}, {transform_indices = #map1}, {transform_indices = #map}]} {
    %mul3A = arith.constant 16 : i32
    %mul3A_0 = arith.muli %arg0, %mul3A : i32
    %add3A = arith.addi %mul3A_0, %arg1 : i32
    %mul3A_1 = arith.constant 1024 : i32
    %mul3A_2 = arith.muli %add3A, %mul3A_1 : i32
    "tpu.region"() ({
      %run_scoped3A = tpu.sem_alloc : memref<!tpu.dma_semaphore, #tpu.memory_space<semaphore_mem>>
      %dma_start3A_142 = tpu.memref_slice %arg3[%mul3A_2] : memref<32768xi32, #tpu.memory_space<hbm>> -> memref<1024xi32, #tpu.memory_space<hbm>>
      %dma_start3A_143 = tpu.memref_slice %arg3[%mul3A_2] : memref<32768xi32, #tpu.memory_space<hbm>> -> memref<1024xi32, #tpu.memory_space<hbm>>
      tpu.enqueue_dma source(%dma_start3A_143 : memref<1024xi32, #tpu.memory_space<hbm>>) target(%arg5 : memref<1024xi32, #tpu.memory_space<vmem>>) target_semaphore(%run_scoped3A : memref<!tpu.dma_semaphore, #tpu.memory_space<semaphore_mem>>)
      %dma_wait3A_144 = tpu.memref_slice %arg3[%mul3A_2] : memref<32768xi32, #tpu.memory_space<hbm>> -> memref<1024xi32, #tpu.memory_space<hbm>>
      %dma_wait3A_145 = tpu.memref_slice %arg3[%mul3A_2] : memref<32768xi32, #tpu.memory_space<hbm>> -> memref<1024xi32, #tpu.memory_space<hbm>>
      tpu.wait_dma2 semaphore(%run_scoped3A : memref<!tpu.dma_semaphore, #tpu.memory_space<semaphore_mem>>) src(%dma_wait3A_145 : memref<1024xi32, #tpu.memory_space<hbm>>) dst(%arg5 : memref<1024xi32, #tpu.memory_space<vmem>>)
      tpu.yield
    }) : () -> ()
    %dma_start3A = arith.constant 0 : i32
    %dma_start3A_3 = arith.constant 0 : i32
    %dma_start3A_4 = tpu.memref_slice %arg5[%dma_start3A_3] : memref<1024xi32, #tpu.memory_space<vmem>> -> memref<16xi32, #tpu.memory_space<vmem>>
    %dma_start3A_5 = arith.constant 0 : i32
    %dma_start3A_6 = arith.constant 0 : i32
    %dma_start3A_7 = tpu.memref_slice %arg2[%dma_start3A_5, %dma_start3A_6] : memref<8192x1024xf32, #tpu.memory_space<hbm>> -> memref<8192x1024xf32, #tpu.memory_space<hbm>>
    %dma_start3A_8 = tpu.memref_slice %arg10[%dma_start3A] : memref<4x!tpu.dma_semaphore, #tpu.memory_space<semaphore_mem>> -> memref<1x!tpu.dma_semaphore, #tpu.memory_space<semaphore_mem>>
    %dma_start3A_9 = tpu.memref_squeeze %dma_start3A_8 : memref<1x!tpu.dma_semaphore, #tpu.memory_space<semaphore_mem>> -> memref<!tpu.dma_semaphore, #tpu.memory_space<semaphore_mem>>
    tpu.enqueue_indirect_dma source(%dma_start3A_7 : memref<8192x1024xf32, #tpu.memory_space<hbm>>) target(%arg6 : memref<16x1024xf32, #tpu.memory_space<vmem>>) offsets(%dma_start3A_4 : memref<16xi32, #tpu.memory_space<vmem>>) semaphore(%dma_start3A_9 : memref<!tpu.dma_semaphore, #tpu.memory_space<semaphore_mem>>)
    %dma_start3A_10 = arith.constant 1 : i32
    %dma_start3A_11 = arith.constant 16 : i32
    %dma_start3A_12 = tpu.memref_slice %arg5[%dma_start3A_11] : memref<1024xi32, #tpu.memory_space<vmem>> -> memref<16xi32, #tpu.memory_space<vmem>>
    %dma_start3A_13 = arith.constant 0 : i32
    %dma_start3A_14 = arith.constant 0 : i32
    %dma_start3A_15 = tpu.memref_slice %arg2[%dma_start3A_13, %dma_start3A_14] : memref<8192x1024xf32, #tpu.memory_space<hbm>> -> memref<8192x1024xf32, #tpu.memory_space<hbm>>
    %dma_start3A_16 = tpu.memref_slice %arg10[%dma_start3A_10] : memref<4x!tpu.dma_semaphore, #tpu.memory_space<semaphore_mem>> -> memref<1x!tpu.dma_semaphore, #tpu.memory_space<semaphore_mem>>
    %dma_start3A_17 = tpu.memref_squeeze %dma_start3A_16 : memref<1x!tpu.dma_semaphore, #tpu.memory_space<semaphore_mem>> -> memref<!tpu.dma_semaphore, #tpu.memory_space<semaphore_mem>>
    tpu.enqueue_indirect_dma source(%dma_start3A_15 : memref<8192x1024xf32, #tpu.memory_space<hbm>>) target(%arg7 : memref<16x1024xf32, #tpu.memory_space<vmem>>) offsets(%dma_start3A_12 : memref<16xi32, #tpu.memory_space<vmem>>) semaphore(%dma_start3A_17 : memref<!tpu.dma_semaphore, #tpu.memory_space<semaphore_mem>>)
    %dma_wait3A = arith.constant 0 : i32
    %dma_wait3A_18 = arith.constant 0 : i32
    %dma_wait3A_19 = tpu.memref_slice %arg5[%dma_wait3A_18] : memref<1024xi32, #tpu.memory_space<vmem>> -> memref<16xi32, #tpu.memory_space<vmem>>
    %dma_wait3A_20 = arith.constant 0 : i32
    %dma_wait3A_21 = arith.constant 0 : i32
    %dma_wait3A_22 = tpu.memref_slice %arg2[%dma_wait3A_20, %dma_wait3A_21] : memref<8192x1024xf32, #tpu.memory_space<hbm>> -> memref<8192x1024xf32, #tpu.memory_space<hbm>>
    %dma_wait3A_23 = tpu.memref_slice %arg10[%dma_wait3A] : memref<4x!tpu.dma_semaphore, #tpu.memory_space<semaphore_mem>> -> memref<1x!tpu.dma_semaphore, #tpu.memory_space<semaphore_mem>>
    %dma_wait3A_24 = tpu.memref_squeeze %dma_wait3A_23 : memref<1x!tpu.dma_semaphore, #tpu.memory_space<semaphore_mem>> -> memref<!tpu.dma_semaphore, #tpu.memory_space<semaphore_mem>>
    tpu.wait_indirect_dma semaphore(%dma_wait3A_24 : memref<!tpu.dma_semaphore, #tpu.memory_space<semaphore_mem>>) src(%dma_wait3A_22 : memref<8192x1024xf32, #tpu.memory_space<hbm>>) dst(%arg6 : memref<16x1024xf32, #tpu.memory_space<vmem>>)
    %add3A_25 = arith.constant 0 : i32
    %add3A_26 = arith.addi %mul3A_2, %add3A_25 : i32
    %dma_start3A_27 = arith.constant 0 : i32
    %dma_start3A_28 = arith.constant 0 : i32
    %dma_start3A_29 = tpu.memref_slice %arg4[%add3A_26, %dma_start3A_28] : memref<32768x1024xf32, #tpu.memory_space<hbm>> -> memref<16x1024xf32, #tpu.memory_space<hbm>>
    %dma_start3A_30 = tpu.memref_slice %arg11[%dma_start3A_27] : memref<4x!tpu.dma_semaphore, #tpu.memory_space<semaphore_mem>> -> memref<1x!tpu.dma_semaphore, #tpu.memory_space<semaphore_mem>>
    %dma_start3A_31 = tpu.memref_squeeze %dma_start3A_30 : memref<1x!tpu.dma_semaphore, #tpu.memory_space<semaphore_mem>> -> memref<!tpu.dma_semaphore, #tpu.memory_space<semaphore_mem>>
    %dma_start3A_32 = arith.constant 0 : i32
    %dma_start3A_33 = tpu.memref_slice %arg4[%add3A_26, %dma_start3A_32] : memref<32768x1024xf32, #tpu.memory_space<hbm>> -> memref<16x1024xf32, #tpu.memory_space<hbm>>
    tpu.enqueue_dma source(%arg6 : memref<16x1024xf32, #tpu.memory_space<vmem>>) target(%dma_start3A_33 : memref<16x1024xf32, #tpu.memory_space<hbm>>) target_semaphore(%dma_start3A_31 : memref<!tpu.dma_semaphore, #tpu.memory_space<semaphore_mem>>)
    %dma_start3A_34 = arith.constant 2 : i32
    %dma_start3A_35 = arith.constant 32 : i32
    %dma_start3A_36 = tpu.memref_slice %arg5[%dma_start3A_35] : memref<1024xi32, #tpu.memory_space<vmem>> -> memref<16xi32, #tpu.memory_space<vmem>>
    %dma_start3A_37 = arith.constant 0 : i32
    %dma_start3A_38 = arith.constant 0 : i32
    %dma_start3A_39 = tpu.memref_slice %arg2[%dma_start3A_37, %dma_start3A_38] : memref<8192x1024xf32, #tpu.memory_space<hbm>> -> memref<8192x1024xf32, #tpu.memory_space<hbm>>
    %dma_start3A_40 = tpu.memref_slice %arg10[%dma_start3A_34] : memref<4x!tpu.dma_semaphore, #tpu.memory_space<semaphore_mem>> -> memref<1x!tpu.dma_semaphore, #tpu.memory_space<semaphore_mem>>
    %dma_start3A_41 = tpu.memref_squeeze %dma_start3A_40 : memref<1x!tpu.dma_semaphore, #tpu.memory_space<semaphore_mem>> -> memref<!tpu.dma_semaphore, #tpu.memory_space<semaphore_mem>>
    tpu.enqueue_indirect_dma source(%dma_start3A_39 : memref<8192x1024xf32, #tpu.memory_space<hbm>>) target(%arg8 : memref<16x1024xf32, #tpu.memory_space<vmem>>) offsets(%dma_start3A_36 : memref<16xi32, #tpu.memory_space<vmem>>) semaphore(%dma_start3A_41 : memref<!tpu.dma_semaphore, #tpu.memory_space<semaphore_mem>>)
    %dma_wait3A_42 = arith.constant 1 : i32
    %dma_wait3A_43 = arith.constant 16 : i32
    %dma_wait3A_44 = tpu.memref_slice %arg5[%dma_wait3A_43] : memref<1024xi32, #tpu.memory_space<vmem>> -> memref<16xi32, #tpu.memory_space<vmem>>
    %dma_wait3A_45 = arith.constant 0 : i32
    %dma_wait3A_46 = arith.constant 0 : i32
    %dma_wait3A_47 = tpu.memref_slice %arg2[%dma_wait3A_45, %dma_wait3A_46] : memref<8192x1024xf32, #tpu.memory_space<hbm>> -> memref<8192x1024xf32, #tpu.memory_space<hbm>>
    %dma_wait3A_48 = tpu.memref_slice %arg10[%dma_wait3A_42] : memref<4x!tpu.dma_semaphore, #tpu.memory_space<semaphore_mem>> -> memref<1x!tpu.dma_semaphore, #tpu.memory_space<semaphore_mem>>
    %dma_wait3A_49 = tpu.memref_squeeze %dma_wait3A_48 : memref<1x!tpu.dma_semaphore, #tpu.memory_space<semaphore_mem>> -> memref<!tpu.dma_semaphore, #tpu.memory_space<semaphore_mem>>
    tpu.wait_indirect_dma semaphore(%dma_wait3A_49 : memref<!tpu.dma_semaphore, #tpu.memory_space<semaphore_mem>>) src(%dma_wait3A_47 : memref<8192x1024xf32, #tpu.memory_space<hbm>>) dst(%arg7 : memref<16x1024xf32, #tpu.memory_space<vmem>>)
    %add3A_50 = arith.constant 16 : i32
    %add3A_51 = arith.addi %mul3A_2, %add3A_50 : i32
    %dma_start3A_52 = arith.constant 1 : i32
    %dma_start3A_53 = arith.constant 0 : i32
    %dma_start3A_54 = tpu.memref_slice %arg4[%add3A_51, %dma_start3A_53] : memref<32768x1024xf32, #tpu.memory_space<hbm>> -> memref<16x1024xf32, #tpu.memory_space<hbm>>
    %dma_start3A_55 = tpu.memref_slice %arg11[%dma_start3A_52] : memref<4x!tpu.dma_semaphore, #tpu.memory_space<semaphore_mem>> -> memref<1x!tpu.dma_semaphore, #tpu.memory_space<semaphore_mem>>
    %dma_start3A_56 = tpu.memref_squeeze %dma_start3A_55 : memref<1x!tpu.dma_semaphore, #tpu.memory_space<semaphore_mem>> -> memref<!tpu.dma_semaphore, #tpu.memory_space<semaphore_mem>>
    %dma_start3A_57 = arith.constant 0 : i32
    %dma_start3A_58 = tpu.memref_slice %arg4[%add3A_51, %dma_start3A_57] : memref<32768x1024xf32, #tpu.memory_space<hbm>> -> memref<16x1024xf32, #tpu.memory_space<hbm>>
    tpu.enqueue_dma source(%arg7 : memref<16x1024xf32, #tpu.memory_space<vmem>>) target(%dma_start3A_58 : memref<16x1024xf32, #tpu.memory_space<hbm>>) target_semaphore(%dma_start3A_56 : memref<!tpu.dma_semaphore, #tpu.memory_space<semaphore_mem>>)
    %dma_start3A_59 = arith.constant 3 : i32
    %dma_start3A_60 = arith.constant 48 : i32
    %dma_start3A_61 = tpu.memref_slice %arg5[%dma_start3A_60] : memref<1024xi32, #tpu.memory_space<vmem>> -> memref<16xi32, #tpu.memory_space<vmem>>
    %dma_start3A_62 = arith.constant 0 : i32
    %dma_start3A_63 = arith.constant 0 : i32
    %dma_start3A_64 = tpu.memref_slice %arg2[%dma_start3A_62, %dma_start3A_63] : memref<8192x1024xf32, #tpu.memory_space<hbm>> -> memref<8192x1024xf32, #tpu.memory_space<hbm>>
    %dma_start3A_65 = tpu.memref_slice %arg10[%dma_start3A_59] : memref<4x!tpu.dma_semaphore, #tpu.memory_space<semaphore_mem>> -> memref<1x!tpu.dma_semaphore, #tpu.memory_space<semaphore_mem>>
    %dma_start3A_66 = tpu.memref_squeeze %dma_start3A_65 : memref<1x!tpu.dma_semaphore, #tpu.memory_space<semaphore_mem>> -> memref<!tpu.dma_semaphore, #tpu.memory_space<semaphore_mem>>
    tpu.enqueue_indirect_dma source(%dma_start3A_64 : memref<8192x1024xf32, #tpu.memory_space<hbm>>) target(%arg9 : memref<16x1024xf32, #tpu.memory_space<vmem>>) offsets(%dma_start3A_61 : memref<16xi32, #tpu.memory_space<vmem>>) semaphore(%dma_start3A_66 : memref<!tpu.dma_semaphore, #tpu.memory_space<semaphore_mem>>)
    %scan3A = arith.constant 0 : i32
    %scan3A_67 = arith.constant 0 : i32
    %scan3A_68 = arith.constant 15 : i32
    %scan3A_69 = arith.addi %scan3A_67, %scan3A_68 : i32
    %scan3A_70 = arith.constant 1 : i32
    scf.for %scan3A_142 = %scan3A_67 to %scan3A_69 step %scan3A_70  : i32 {
      %mul3A_143 = arith.constant 4 : i32
      %mul3A_144 = arith.muli %scan3A_142, %mul3A_143 : i32
      %add3A_145 = arith.constant 2 : i32
      %add3A_146 = arith.addi %add3A_145, %mul3A_144 : i32
      %add3A_147 = arith.constant 0 : i32
      %add3A_148 = arith.addi %add3A_146, %add3A_147 : i32
      %mul3A_149 = arith.constant 16 : i32
      %mul3A_150 = arith.muli %add3A_148, %mul3A_149 : i32
      %dma_wait3A_151 = arith.constant 2 : i32
      %dma_wait3A_152 = tpu.memref_slice %arg5[%mul3A_150] : memref<1024xi32, #tpu.memory_space<vmem>> -> memref<16xi32, #tpu.memory_space<vmem>>
      %dma_wait3A_153 = arith.constant 0 : i32
      %dma_wait3A_154 = arith.constant 0 : i32
      %dma_wait3A_155 = tpu.memref_slice %arg2[%dma_wait3A_153, %dma_wait3A_154] : memref<8192x1024xf32, #tpu.memory_space<hbm>> -> memref<8192x1024xf32, #tpu.memory_space<hbm>>
      %dma_wait3A_156 = tpu.memref_slice %arg10[%dma_wait3A_151] : memref<4x!tpu.dma_semaphore, #tpu.memory_space<semaphore_mem>> -> memref<1x!tpu.dma_semaphore, #tpu.memory_space<semaphore_mem>>
      %dma_wait3A_157 = tpu.memref_squeeze %dma_wait3A_156 : memref<1x!tpu.dma_semaphore, #tpu.memory_space<semaphore_mem>> -> memref<!tpu.dma_semaphore, #tpu.memory_space<semaphore_mem>>
      tpu.wait_indirect_dma semaphore(%dma_wait3A_157 : memref<!tpu.dma_semaphore, #tpu.memory_space<semaphore_mem>>) src(%dma_wait3A_155 : memref<8192x1024xf32, #tpu.memory_space<hbm>>) dst(%arg8 : memref<16x1024xf32, #tpu.memory_space<vmem>>)
      %mul3A_158 = arith.constant 16 : i32
      %mul3A_159 = arith.muli %add3A_148, %mul3A_158 : i32
      %add3A_160 = arith.addi %mul3A_2, %mul3A_159 : i32
      %dma_start3A_161 = arith.constant 2 : i32
      %dma_start3A_162 = arith.constant 0 : i32
      %dma_start3A_163 = tpu.memref_slice %arg4[%add3A_160, %dma_start3A_162] : memref<32768x1024xf32, #tpu.memory_space<hbm>> -> memref<16x1024xf32, #tpu.memory_space<hbm>>
      %dma_start3A_164 = tpu.memref_slice %arg11[%dma_start3A_161] : memref<4x!tpu.dma_semaphore, #tpu.memory_space<semaphore_mem>> -> memref<1x!tpu.dma_semaphore, #tpu.memory_space<semaphore_mem>>
      %dma_start3A_165 = tpu.memref_squeeze %dma_start3A_164 : memref<1x!tpu.dma_semaphore, #tpu.memory_space<semaphore_mem>> -> memref<!tpu.dma_semaphore, #tpu.memory_space<semaphore_mem>>
      %dma_start3A_166 = arith.constant 0 : i32
      %dma_start3A_167 = tpu.memref_slice %arg4[%add3A_160, %dma_start3A_166] : memref<32768x1024xf32, #tpu.memory_space<hbm>> -> memref<16x1024xf32, #tpu.memory_space<hbm>>
      tpu.enqueue_dma source(%arg8 : memref<16x1024xf32, #tpu.memory_space<vmem>>) target(%dma_start3A_167 : memref<16x1024xf32, #tpu.memory_space<hbm>>) target_semaphore(%dma_start3A_165 : memref<!tpu.dma_semaphore, #tpu.memory_space<semaphore_mem>>)
      %add3A_168 = arith.constant 2 : i32
      %add3A_169 = arith.addi %add3A_148, %add3A_168 : i32
      %sub3A = arith.constant 4 : i32
      %sub3A_170 = arith.subi %add3A_169, %sub3A : i32
      %mul3A_171 = arith.constant 16 : i32
      %mul3A_172 = arith.muli %sub3A_170, %mul3A_171 : i32
      %add3A_173 = arith.addi %mul3A_2, %mul3A_172 : i32
      %dma_wait3A_174 = arith.constant 0 : i32
      %dma_wait3A_175 = arith.constant 0 : i32
      %dma_wait3A_176 = tpu.memref_slice %arg4[%add3A_173, %dma_wait3A_175] : memref<32768x1024xf32, #tpu.memory_space<hbm>> -> memref<16x1024xf32, #tpu.memory_space<hbm>>
      %dma_wait3A_177 = tpu.memref_slice %arg11[%dma_wait3A_174] : memref<4x!tpu.dma_semaphore, #tpu.memory_space<semaphore_mem>> -> memref<1x!tpu.dma_semaphore, #tpu.memory_space<semaphore_mem>>
      %dma_wait3A_178 = tpu.memref_squeeze %dma_wait3A_177 : memref<1x!tpu.dma_semaphore, #tpu.memory_space<semaphore_mem>> -> memref<!tpu.dma_semaphore, #tpu.memory_space<semaphore_mem>>
      %dma_wait3A_179 = arith.constant 0 : i32
      %dma_wait3A_180 = tpu.memref_slice %arg4[%add3A_173, %dma_wait3A_179] : memref<32768x1024xf32, #tpu.memory_space<hbm>> -> memref<16x1024xf32, #tpu.memory_space<hbm>>
      tpu.wait_dma2 semaphore(%dma_wait3A_178 : memref<!tpu.dma_semaphore, #tpu.memory_space<semaphore_mem>>) src(%arg6 : memref<16x1024xf32, #tpu.memory_space<vmem>>) dst(%dma_wait3A_180 : memref<16x1024xf32, #tpu.memory_space<hbm>>)
      %add3A_181 = arith.constant 2 : i32
      %add3A_182 = arith.addi %add3A_148, %add3A_181 : i32
      %mul3A_183 = arith.constant 16 : i32
      %mul3A_184 = arith.muli %add3A_182, %mul3A_183 : i32
      %dma_start3A_185 = arith.constant 0 : i32
      %dma_start3A_186 = tpu.memref_slice %arg5[%mul3A_184] : memref<1024xi32, #tpu.memory_space<vmem>> -> memref<16xi32, #tpu.memory_space<vmem>>
      %dma_start3A_187 = arith.constant 0 : i32
      %dma_start3A_188 = arith.constant 0 : i32
      %dma_start3A_189 = tpu.memref_slice %arg2[%dma_start3A_187, %dma_start3A_188] : memref<8192x1024xf32, #tpu.memory_space<hbm>> -> memref<8192x1024xf32, #tpu.memory_space<hbm>>
      %dma_start3A_190 = tpu.memref_slice %arg10[%dma_start3A_185] : memref<4x!tpu.dma_semaphore, #tpu.memory_space<semaphore_mem>> -> memref<1x!tpu.dma_semaphore, #tpu.memory_space<semaphore_mem>>
      %dma_start3A_191 = tpu.memref_squeeze %dma_start3A_190 : memref<1x!tpu.dma_semaphore, #tpu.memory_space<semaphore_mem>> -> memref<!tpu.dma_semaphore, #tpu.memory_space<semaphore_mem>>
      tpu.enqueue_indirect_dma source(%dma_start3A_189 : memref<8192x1024xf32, #tpu.memory_space<hbm>>) target(%arg6 : memref<16x1024xf32, #tpu.memory_space<vmem>>) offsets(%dma_start3A_186 : memref<16xi32, #tpu.memory_space<vmem>>) semaphore(%dma_start3A_191 : memref<!tpu.dma_semaphore, #tpu.memory_space<semaphore_mem>>)
      %mul3A_192 = arith.constant 4 : i32
      %mul3A_193 = arith.muli %scan3A_142, %mul3A_192 : i32
      %add3A_194 = arith.constant 2 : i32
      %add3A_195 = arith.addi %add3A_194, %mul3A_193 : i32
      %add3A_196 = arith.constant 1 : i32
      %add3A_197 = arith.addi %add3A_195, %add3A_196 : i32
      %mul3A_198 = arith.constant 16 : i32
      %mul3A_199 = arith.muli %add3A_197, %mul3A_198 : i32
      %dma_wait3A_200 = arith.constant 3 : i32
      %dma_wait3A_201 = tpu.memref_slice %arg5[%mul3A_199] : memref<1024xi32, #tpu.memory_space<vmem>> -> memref<16xi32, #tpu.memory_space<vmem>>
      %dma_wait3A_202 = arith.constant 0 : i32
      %dma_wait3A_203 = arith.constant 0 : i32
      %dma_wait3A_204 = tpu.memref_slice %arg2[%dma_wait3A_202, %dma_wait3A_203] : memref<8192x1024xf32, #tpu.memory_space<hbm>> -> memref<8192x1024xf32, #tpu.memory_space<hbm>>
      %dma_wait3A_205 = tpu.memref_slice %arg10[%dma_wait3A_200] : memref<4x!tpu.dma_semaphore, #tpu.memory_space<semaphore_mem>> -> memref<1x!tpu.dma_semaphore, #tpu.memory_space<semaphore_mem>>
      %dma_wait3A_206 = tpu.memref_squeeze %dma_wait3A_205 : memref<1x!tpu.dma_semaphore, #tpu.memory_space<semaphore_mem>> -> memref<!tpu.dma_semaphore, #tpu.memory_space<semaphore_mem>>
      tpu.wait_indirect_dma semaphore(%dma_wait3A_206 : memref<!tpu.dma_semaphore, #tpu.memory_space<semaphore_mem>>) src(%dma_wait3A_204 : memref<8192x1024xf32, #tpu.memory_space<hbm>>) dst(%arg9 : memref<16x1024xf32, #tpu.memory_space<vmem>>)
      %mul3A_207 = arith.constant 16 : i32
      %mul3A_208 = arith.muli %add3A_197, %mul3A_207 : i32
      %add3A_209 = arith.addi %mul3A_2, %mul3A_208 : i32
      %dma_start3A_210 = arith.constant 3 : i32
      %dma_start3A_211 = arith.constant 0 : i32
      %dma_start3A_212 = tpu.memref_slice %arg4[%add3A_209, %dma_start3A_211] : memref<32768x1024xf32, #tpu.memory_space<hbm>> -> memref<16x1024xf32, #tpu.memory_space<hbm>>
      %dma_start3A_213 = tpu.memref_slice %arg11[%dma_start3A_210] : memref<4x!tpu.dma_semaphore, #tpu.memory_space<semaphore_mem>> -> memref<1x!tpu.dma_semaphore, #tpu.memory_space<semaphore_mem>>
      %dma_start3A_214 = tpu.memref_squeeze %dma_start3A_213 : memref<1x!tpu.dma_semaphore, #tpu.memory_space<semaphore_mem>> -> memref<!tpu.dma_semaphore, #tpu.memory_space<semaphore_mem>>
      %dma_start3A_215 = arith.constant 0 : i32
      %dma_start3A_216 = tpu.memref_slice %arg4[%add3A_209, %dma_start3A_215] : memref<32768x1024xf32, #tpu.memory_space<hbm>> -> memref<16x1024xf32, #tpu.memory_space<hbm>>
      tpu.enqueue_dma source(%arg9 : memref<16x1024xf32, #tpu.memory_space<vmem>>) target(%dma_start3A_216 : memref<16x1024xf32, #tpu.memory_space<hbm>>) target_semaphore(%dma_start3A_214 : memref<!tpu.dma_semaphore, #tpu.memory_space<semaphore_mem>>)
      %add3A_217 = arith.constant 2 : i32
      %add3A_218 = arith.addi %add3A_197, %add3A_217 : i32
      %sub3A_219 = arith.constant 4 : i32
      %sub3A_220 = arith.subi %add3A_218, %sub3A_219 : i32
      %mul3A_221 = arith.constant 16 : i32
      %mul3A_222 = arith.muli %sub3A_220, %mul3A_221 : i32
      %add3A_223 = arith.addi %mul3A_2, %mul3A_222 : i32
      %dma_wait3A_224 = arith.constant 1 : i32
      %dma_wait3A_225 = arith.constant 0 : i32
      %dma_wait3A_226 = tpu.memref_slice %arg4[%add3A_223, %dma_wait3A_225] : memref<32768x1024xf32, #tpu.memory_space<hbm>> -> memref<16x1024xf32, #tpu.memory_space<hbm>>
      %dma_wait3A_227 = tpu.memref_slice %arg11[%dma_wait3A_224] : memref<4x!tpu.dma_semaphore, #tpu.memory_space<semaphore_mem>> -> memref<1x!tpu.dma_semaphore, #tpu.memory_space<semaphore_mem>>
      %dma_wait3A_228 = tpu.memref_squeeze %dma_wait3A_227 : memref<1x!tpu.dma_semaphore, #tpu.memory_space<semaphore_mem>> -> memref<!tpu.dma_semaphore, #tpu.memory_space<semaphore_mem>>
      %dma_wait3A_229 = arith.constant 0 : i32
      %dma_wait3A_230 = tpu.memref_slice %arg4[%add3A_223, %dma_wait3A_229] : memref<32768x1024xf32, #tpu.memory_space<hbm>> -> memref<16x1024xf32, #tpu.memory_space<hbm>>
      tpu.wait_dma2 semaphore(%dma_wait3A_228 : memref<!tpu.dma_semaphore, #tpu.memory_space<semaphore_mem>>) src(%arg7 : memref<16x1024xf32, #tpu.memory_space<vmem>>) dst(%dma_wait3A_230 : memref<16x1024xf32, #tpu.memory_space<hbm>>)
      %add3A_231 = arith.constant 2 : i32
      %add3A_232 = arith.addi %add3A_197, %add3A_231 : i32
      %mul3A_233 = arith.constant 16 : i32
      %mul3A_234 = arith.muli %add3A_232, %mul3A_233 : i32
      %dma_start3A_235 = arith.constant 1 : i32
      %dma_start3A_236 = tpu.memref_slice %arg5[%mul3A_234] : memref<1024xi32, #tpu.memory_space<vmem>> -> memref<16xi32, #tpu.memory_space<vmem>>
      %dma_start3A_237 = arith.constant 0 : i32
      %dma_start3A_238 = arith.constant 0 : i32
      %dma_start3A_239 = tpu.memref_slice %arg2[%dma_start3A_237, %dma_start3A_238] : memref<8192x1024xf32, #tpu.memory_space<hbm>> -> memref<8192x1024xf32, #tpu.memory_space<hbm>>
      %dma_start3A_240 = tpu.memref_slice %arg10[%dma_start3A_235] : memref<4x!tpu.dma_semaphore, #tpu.memory_space<semaphore_mem>> -> memref<1x!tpu.dma_semaphore, #tpu.memory_space<semaphore_mem>>
      %dma_start3A_241 = tpu.memref_squeeze %dma_start3A_240 : memref<1x!tpu.dma_semaphore, #tpu.memory_space<semaphore_mem>> -> memref<!tpu.dma_semaphore, #tpu.memory_space<semaphore_mem>>
      tpu.enqueue_indirect_dma source(%dma_start3A_239 : memref<8192x1024xf32, #tpu.memory_space<hbm>>) target(%arg7 : memref<16x1024xf32, #tpu.memory_space<vmem>>) offsets(%dma_start3A_236 : memref<16xi32, #tpu.memory_space<vmem>>) semaphore(%dma_start3A_241 : memref<!tpu.dma_semaphore, #tpu.memory_space<semaphore_mem>>)
      %mul3A_242 = arith.constant 4 : i32
      %mul3A_243 = arith.muli %scan3A_142, %mul3A_242 : i32
      %add3A_244 = arith.constant 2 : i32
      %add3A_245 = arith.addi %add3A_244, %mul3A_243 : i32
      %add3A_246 = arith.constant 2 : i32
      %add3A_247 = arith.addi %add3A_245, %add3A_246 : i32
      %mul3A_248 = arith.constant 16 : i32
      %mul3A_249 = arith.muli %add3A_247, %mul3A_248 : i32
      %dma_wait3A_250 = arith.constant 0 : i32
      %dma_wait3A_251 = tpu.memref_slice %arg5[%mul3A_249] : memref<1024xi32, #tpu.memory_space<vmem>> -> memref<16xi32, #tpu.memory_space<vmem>>
      %dma_wait3A_252 = arith.constant 0 : i32
      %dma_wait3A_253 = arith.constant 0 : i32
      %dma_wait3A_254 = tpu.memref_slice %arg2[%dma_wait3A_252, %dma_wait3A_253] : memref<8192x1024xf32, #tpu.memory_space<hbm>> -> memref<8192x1024xf32, #tpu.memory_space<hbm>>
      %dma_wait3A_255 = tpu.memref_slice %arg10[%dma_wait3A_250] : memref<4x!tpu.dma_semaphore, #tpu.memory_space<semaphore_mem>> -> memref<1x!tpu.dma_semaphore, #tpu.memory_space<semaphore_mem>>
      %dma_wait3A_256 = tpu.memref_squeeze %dma_wait3A_255 : memref<1x!tpu.dma_semaphore, #tpu.memory_space<semaphore_mem>> -> memref<!tpu.dma_semaphore, #tpu.memory_space<semaphore_mem>>
      tpu.wait_indirect_dma semaphore(%dma_wait3A_256 : memref<!tpu.dma_semaphore, #tpu.memory_space<semaphore_mem>>) src(%dma_wait3A_254 : memref<8192x1024xf32, #tpu.memory_space<hbm>>) dst(%arg6 : memref<16x1024xf32, #tpu.memory_space<vmem>>)
      %mul3A_257 = arith.constant 16 : i32
      %mul3A_258 = arith.muli %add3A_247, %mul3A_257 : i32
      %add3A_259 = arith.addi %mul3A_2, %mul3A_258 : i32
      %dma_start3A_260 = arith.constant 0 : i32
      %dma_start3A_261 = arith.constant 0 : i32
      %dma_start3A_262 = tpu.memref_slice %arg4[%add3A_259, %dma_start3A_261] : memref<32768x1024xf32, #tpu.memory_space<hbm>> -> memref<16x1024xf32, #tpu.memory_space<hbm>>
      %dma_start3A_263 = tpu.memref_slice %arg11[%dma_start3A_260] : memref<4x!tpu.dma_semaphore, #tpu.memory_space<semaphore_mem>> -> memref<1x!tpu.dma_semaphore, #tpu.memory_space<semaphore_mem>>
      %dma_start3A_264 = tpu.memref_squeeze %dma_start3A_263 : memref<1x!tpu.dma_semaphore, #tpu.memory_space<semaphore_mem>> -> memref<!tpu.dma_semaphore, #tpu.memory_space<semaphore_mem>>
      %dma_start3A_265 = arith.constant 0 : i32
      %dma_start3A_266 = tpu.memref_slice %arg4[%add3A_259, %dma_start3A_265] : memref<32768x1024xf32, #tpu.memory_space<hbm>> -> memref<16x1024xf32, #tpu.memory_space<hbm>>
      tpu.enqueue_dma source(%arg6 : memref<16x1024xf32, #tpu.memory_space<vmem>>) target(%dma_start3A_266 : memref<16x1024xf32, #tpu.memory_space<hbm>>) target_semaphore(%dma_start3A_264 : memref<!tpu.dma_semaphore, #tpu.memory_space<semaphore_mem>>)
      %add3A_267 = arith.constant 2 : i32
      %add3A_268 = arith.addi %add3A_247, %add3A_267 : i32
      %sub3A_269 = arith.constant 4 : i32
      %sub3A_270 = arith.subi %add3A_268, %sub3A_269 : i32
      %mul3A_271 = arith.constant 16 : i32
      %mul3A_272 = arith.muli %sub3A_270, %mul3A_271 : i32
      %add3A_273 = arith.addi %mul3A_2, %mul3A_272 : i32
      %dma_wait3A_274 = arith.constant 2 : i32
      %dma_wait3A_275 = arith.constant 0 : i32
      %dma_wait3A_276 = tpu.memref_slice %arg4[%add3A_273, %dma_wait3A_275] : memref<32768x1024xf32, #tpu.memory_space<hbm>> -> memref<16x1024xf32, #tpu.memory_space<hbm>>
      %dma_wait3A_277 = tpu.memref_slice %arg11[%dma_wait3A_274] : memref<4x!tpu.dma_semaphore, #tpu.memory_space<semaphore_mem>> -> memref<1x!tpu.dma_semaphore, #tpu.memory_space<semaphore_mem>>
      %dma_wait3A_278 = tpu.memref_squeeze %dma_wait3A_277 : memref<1x!tpu.dma_semaphore, #tpu.memory_space<semaphore_mem>> -> memref<!tpu.dma_semaphore, #tpu.memory_space<semaphore_mem>>
      %dma_wait3A_279 = arith.constant 0 : i32
      %dma_wait3A_280 = tpu.memref_slice %arg4[%add3A_273, %dma_wait3A_279] : memref<32768x1024xf32, #tpu.memory_space<hbm>> -> memref<16x1024xf32, #tpu.memory_space<hbm>>
      tpu.wait_dma2 semaphore(%dma_wait3A_278 : memref<!tpu.dma_semaphore, #tpu.memory_space<semaphore_mem>>) src(%arg8 : memref<16x1024xf32, #tpu.memory_space<vmem>>) dst(%dma_wait3A_280 : memref<16x1024xf32, #tpu.memory_space<hbm>>)
      %add3A_281 = arith.constant 2 : i32
      %add3A_282 = arith.addi %add3A_247, %add3A_281 : i32
      %mul3A_283 = arith.constant 16 : i32
      %mul3A_284 = arith.muli %add3A_282, %mul3A_283 : i32
      %dma_start3A_285 = arith.constant 2 : i32
      %dma_start3A_286 = tpu.memref_slice %arg5[%mul3A_284] : memref<1024xi32, #tpu.memory_space<vmem>> -> memref<16xi32, #tpu.memory_space<vmem>>
      %dma_start3A_287 = arith.constant 0 : i32
      %dma_start3A_288 = arith.constant 0 : i32
      %dma_start3A_289 = tpu.memref_slice %arg2[%dma_start3A_287, %dma_start3A_288] : memref<8192x1024xf32, #tpu.memory_space<hbm>> -> memref<8192x1024xf32, #tpu.memory_space<hbm>>
      %dma_start3A_290 = tpu.memref_slice %arg10[%dma_start3A_285] : memref<4x!tpu.dma_semaphore, #tpu.memory_space<semaphore_mem>> -> memref<1x!tpu.dma_semaphore, #tpu.memory_space<semaphore_mem>>
      %dma_start3A_291 = tpu.memref_squeeze %dma_start3A_290 : memref<1x!tpu.dma_semaphore, #tpu.memory_space<semaphore_mem>> -> memref<!tpu.dma_semaphore, #tpu.memory_space<semaphore_mem>>
      tpu.enqueue_indirect_dma source(%dma_start3A_289 : memref<8192x1024xf32, #tpu.memory_space<hbm>>) target(%arg8 : memref<16x1024xf32, #tpu.memory_space<vmem>>) offsets(%dma_start3A_286 : memref<16xi32, #tpu.memory_space<vmem>>) semaphore(%dma_start3A_291 : memref<!tpu.dma_semaphore, #tpu.memory_space<semaphore_mem>>)
      %mul3A_292 = arith.constant 4 : i32
      %mul3A_293 = arith.muli %scan3A_142, %mul3A_292 : i32
      %add3A_294 = arith.constant 2 : i32
      %add3A_295 = arith.addi %add3A_294, %mul3A_293 : i32
      %add3A_296 = arith.constant 3 : i32
      %add3A_297 = arith.addi %add3A_295, %add3A_296 : i32
      %mul3A_298 = arith.constant 16 : i32
      %mul3A_299 = arith.muli %add3A_297, %mul3A_298 : i32
      %dma_wait3A_300 = arith.constant 1 : i32
      %dma_wait3A_301 = tpu.memref_slice %arg5[%mul3A_299] : memref<1024xi32, #tpu.memory_space<vmem>> -> memref<16xi32, #tpu.memory_space<vmem>>
      %dma_wait3A_302 = arith.constant 0 : i32
      %dma_wait3A_303 = arith.constant 0 : i32
      %dma_wait3A_304 = tpu.memref_slice %arg2[%dma_wait3A_302, %dma_wait3A_303] : memref<8192x1024xf32, #tpu.memory_space<hbm>> -> memref<8192x1024xf32, #tpu.memory_space<hbm>>
      %dma_wait3A_305 = tpu.memref_slice %arg10[%dma_wait3A_300] : memref<4x!tpu.dma_semaphore, #tpu.memory_space<semaphore_mem>> -> memref<1x!tpu.dma_semaphore, #tpu.memory_space<semaphore_mem>>
      %dma_wait3A_306 = tpu.memref_squeeze %dma_wait3A_305 : memref<1x!tpu.dma_semaphore, #tpu.memory_space<semaphore_mem>> -> memref<!tpu.dma_semaphore, #tpu.memory_space<semaphore_mem>>
      tpu.wait_indirect_dma semaphore(%dma_wait3A_306 : memref<!tpu.dma_semaphore, #tpu.memory_space<semaphore_mem>>) src(%dma_wait3A_304 : memref<8192x1024xf32, #tpu.memory_space<hbm>>) dst(%arg7 : memref<16x1024xf32, #tpu.memory_space<vmem>>)
      %mul3A_307 = arith.constant 16 : i32
      %mul3A_308 = arith.muli %add3A_297, %mul3A_307 : i32
      %add3A_309 = arith.addi %mul3A_2, %mul3A_308 : i32
      %dma_start3A_310 = arith.constant 1 : i32
      %dma_start3A_311 = arith.constant 0 : i32
      %dma_start3A_312 = tpu.memref_slice %arg4[%add3A_309, %dma_start3A_311] : memref<32768x1024xf32, #tpu.memory_space<hbm>> -> memref<16x1024xf32, #tpu.memory_space<hbm>>
      %dma_start3A_313 = tpu.memref_slice %arg11[%dma_start3A_310] : memref<4x!tpu.dma_semaphore, #tpu.memory_space<semaphore_mem>> -> memref<1x!tpu.dma_semaphore, #tpu.memory_space<semaphore_mem>>
      %dma_start3A_314 = tpu.memref_squeeze %dma_start3A_313 : memref<1x!tpu.dma_semaphore, #tpu.memory_space<semaphore_mem>> -> memref<!tpu.dma_semaphore, #tpu.memory_space<semaphore_mem>>
      %dma_start3A_315 = arith.constant 0 : i32
      %dma_start3A_316 = tpu.memref_slice %arg4[%add3A_309, %dma_start3A_315] : memref<32768x1024xf32, #tpu.memory_space<hbm>> -> memref<16x1024xf32, #tpu.memory_space<hbm>>
      tpu.enqueue_dma source(%arg7 : memref<16x1024xf32, #tpu.memory_space<vmem>>) target(%dma_start3A_316 : memref<16x1024xf32, #tpu.memory_space<hbm>>) target_semaphore(%dma_start3A_314 : memref<!tpu.dma_semaphore, #tpu.memory_space<semaphore_mem>>)
      %add3A_317 = arith.constant 2 : i32
      %add3A_318 = arith.addi %add3A_297, %add3A_317 : i32
      %sub3A_319 = arith.constant 4 : i32
      %sub3A_320 = arith.subi %add3A_318, %sub3A_319 : i32
      %mul3A_321 = arith.constant 16 : i32
      %mul3A_322 = arith.muli %sub3A_320, %mul3A_321 : i32
      %add3A_323 = arith.addi %mul3A_2, %mul3A_322 : i32
      %dma_wait3A_324 = arith.constant 3 : i32
      %dma_wait3A_325 = arith.constant 0 : i32
      %dma_wait3A_326 = tpu.memref_slice %arg4[%add3A_323, %dma_wait3A_325] : memref<32768x1024xf32, #tpu.memory_space<hbm>> -> memref<16x1024xf32, #tpu.memory_space<hbm>>
      %dma_wait3A_327 = tpu.memref_slice %arg11[%dma_wait3A_324] : memref<4x!tpu.dma_semaphore, #tpu.memory_space<semaphore_mem>> -> memref<1x!tpu.dma_semaphore, #tpu.memory_space<semaphore_mem>>
      %dma_wait3A_328 = tpu.memref_squeeze %dma_wait3A_327 : memref<1x!tpu.dma_semaphore, #tpu.memory_space<semaphore_mem>> -> memref<!tpu.dma_semaphore, #tpu.memory_space<semaphore_mem>>
      %dma_wait3A_329 = arith.constant 0 : i32
      %dma_wait3A_330 = tpu.memref_slice %arg4[%add3A_323, %dma_wait3A_329] : memref<32768x1024xf32, #tpu.memory_space<hbm>> -> memref<16x1024xf32, #tpu.memory_space<hbm>>
      tpu.wait_dma2 semaphore(%dma_wait3A_328 : memref<!tpu.dma_semaphore, #tpu.memory_space<semaphore_mem>>) src(%arg9 : memref<16x1024xf32, #tpu.memory_space<vmem>>) dst(%dma_wait3A_330 : memref<16x1024xf32, #tpu.memory_space<hbm>>)
      %add3A_331 = arith.constant 2 : i32
      %add3A_332 = arith.addi %add3A_297, %add3A_331 : i32
      %mul3A_333 = arith.constant 16 : i32
      %mul3A_334 = arith.muli %add3A_332, %mul3A_333 : i32
      %dma_start3A_335 = arith.constant 3 : i32
      %dma_start3A_336 = tpu.memref_slice %arg5[%mul3A_334] : memref<1024xi32, #tpu.memory_space<vmem>> -> memref<16xi32, #tpu.memory_space<vmem>>
      %dma_start3A_337 = arith.constant 0 : i32
      %dma_start3A_338 = arith.constant 0 : i32
      %dma_start3A_339 = tpu.memref_slice %arg2[%dma_start3A_337, %dma_start3A_338] : memref<8192x1024xf32, #tpu.memory_space<hbm>> -> memref<8192x1024xf32, #tpu.memory_space<hbm>>
      %dma_start3A_340 = tpu.memref_slice %arg10[%dma_start3A_335] : memref<4x!tpu.dma_semaphore, #tpu.memory_space<semaphore_mem>> -> memref<1x!tpu.dma_semaphore, #tpu.memory_space<semaphore_mem>>
      %dma_start3A_341 = tpu.memref_squeeze %dma_start3A_340 : memref<1x!tpu.dma_semaphore, #tpu.memory_space<semaphore_mem>> -> memref<!tpu.dma_semaphore, #tpu.memory_space<semaphore_mem>>
      tpu.enqueue_indirect_dma source(%dma_start3A_339 : memref<8192x1024xf32, #tpu.memory_space<hbm>>) target(%arg9 : memref<16x1024xf32, #tpu.memory_space<vmem>>) offsets(%dma_start3A_336 : memref<16xi32, #tpu.memory_space<vmem>>) semaphore(%dma_start3A_341 : memref<!tpu.dma_semaphore, #tpu.memory_space<semaphore_mem>>)
    }
    %scan3A_71 = arith.constant 15 : i32
    %dma_wait3A_72 = arith.constant 2 : i32
    %dma_wait3A_73 = arith.constant 992 : i32
    %dma_wait3A_74 = tpu.memref_slice %arg5[%dma_wait3A_73] : memref<1024xi32, #tpu.memory_space<vmem>> -> memref<16xi32, #tpu.memory_space<vmem>>
    %dma_wait3A_75 = arith.constant 0 : i32
    %dma_wait3A_76 = arith.constant 0 : i32
    %dma_wait3A_77 = tpu.memref_slice %arg2[%dma_wait3A_75, %dma_wait3A_76] : memref<8192x1024xf32, #tpu.memory_space<hbm>> -> memref<8192x1024xf32, #tpu.memory_space<hbm>>
    %dma_wait3A_78 = tpu.memref_slice %arg10[%dma_wait3A_72] : memref<4x!tpu.dma_semaphore, #tpu.memory_space<semaphore_mem>> -> memref<1x!tpu.dma_semaphore, #tpu.memory_space<semaphore_mem>>
    %dma_wait3A_79 = tpu.memref_squeeze %dma_wait3A_78 : memref<1x!tpu.dma_semaphore, #tpu.memory_space<semaphore_mem>> -> memref<!tpu.dma_semaphore, #tpu.memory_space<semaphore_mem>>
    tpu.wait_indirect_dma semaphore(%dma_wait3A_79 : memref<!tpu.dma_semaphore, #tpu.memory_space<semaphore_mem>>) src(%dma_wait3A_77 : memref<8192x1024xf32, #tpu.memory_space<hbm>>) dst(%arg8 : memref<16x1024xf32, #tpu.memory_space<vmem>>)
    %add3A_80 = arith.constant 992 : i32
    %add3A_81 = arith.addi %mul3A_2, %add3A_80 : i32
    %dma_start3A_82 = arith.constant 2 : i32
    %dma_start3A_83 = arith.constant 0 : i32
    %dma_start3A_84 = tpu.memref_slice %arg4[%add3A_81, %dma_start3A_83] : memref<32768x1024xf32, #tpu.memory_space<hbm>> -> memref<16x1024xf32, #tpu.memory_space<hbm>>
    %dma_start3A_85 = tpu.memref_slice %arg11[%dma_start3A_82] : memref<4x!tpu.dma_semaphore, #tpu.memory_space<semaphore_mem>> -> memref<1x!tpu.dma_semaphore, #tpu.memory_space<semaphore_mem>>
    %dma_start3A_86 = tpu.memref_squeeze %dma_start3A_85 : memref<1x!tpu.dma_semaphore, #tpu.memory_space<semaphore_mem>> -> memref<!tpu.dma_semaphore, #tpu.memory_space<semaphore_mem>>
    %dma_start3A_87 = arith.constant 0 : i32
    %dma_start3A_88 = tpu.memref_slice %arg4[%add3A_81, %dma_start3A_87] : memref<32768x1024xf32, #tpu.memory_space<hbm>> -> memref<16x1024xf32, #tpu.memory_space<hbm>>
    tpu.enqueue_dma source(%arg8 : memref<16x1024xf32, #tpu.memory_space<vmem>>) target(%dma_start3A_88 : memref<16x1024xf32, #tpu.memory_space<hbm>>) target_semaphore(%dma_start3A_86 : memref<!tpu.dma_semaphore, #tpu.memory_space<semaphore_mem>>)
    %dma_wait3A_89 = arith.constant 3 : i32
    %dma_wait3A_90 = arith.constant 1008 : i32
    %dma_wait3A_91 = tpu.memref_slice %arg5[%dma_wait3A_90] : memref<1024xi32, #tpu.memory_space<vmem>> -> memref<16xi32, #tpu.memory_space<vmem>>
    %dma_wait3A_92 = arith.constant 0 : i32
    %dma_wait3A_93 = arith.constant 0 : i32
    %dma_wait3A_94 = tpu.memref_slice %arg2[%dma_wait3A_92, %dma_wait3A_93] : memref<8192x1024xf32, #tpu.memory_space<hbm>> -> memref<8192x1024xf32, #tpu.memory_space<hbm>>
    %dma_wait3A_95 = tpu.memref_slice %arg10[%dma_wait3A_89] : memref<4x!tpu.dma_semaphore, #tpu.memory_space<semaphore_mem>> -> memref<1x!tpu.dma_semaphore, #tpu.memory_space<semaphore_mem>>
    %dma_wait3A_96 = tpu.memref_squeeze %dma_wait3A_95 : memref<1x!tpu.dma_semaphore, #tpu.memory_space<semaphore_mem>> -> memref<!tpu.dma_semaphore, #tpu.memory_space<semaphore_mem>>
    tpu.wait_indirect_dma semaphore(%dma_wait3A_96 : memref<!tpu.dma_semaphore, #tpu.memory_space<semaphore_mem>>) src(%dma_wait3A_94 : memref<8192x1024xf32, #tpu.memory_space<hbm>>) dst(%arg9 : memref<16x1024xf32, #tpu.memory_space<vmem>>)
    %add3A_97 = arith.constant 1008 : i32
    %add3A_98 = arith.addi %mul3A_2, %add3A_97 : i32
    %dma_start3A_99 = arith.constant 3 : i32
    %dma_start3A_100 = arith.constant 0 : i32
    %dma_start3A_101 = tpu.memref_slice %arg4[%add3A_98, %dma_start3A_100] : memref<32768x1024xf32, #tpu.memory_space<hbm>> -> memref<16x1024xf32, #tpu.memory_space<hbm>>
    %dma_start3A_102 = tpu.memref_slice %arg11[%dma_start3A_99] : memref<4x!tpu.dma_semaphore, #tpu.memory_space<semaphore_mem>> -> memref<1x!tpu.dma_semaphore, #tpu.memory_space<semaphore_mem>>
    %dma_start3A_103 = tpu.memref_squeeze %dma_start3A_102 : memref<1x!tpu.dma_semaphore, #tpu.memory_space<semaphore_mem>> -> memref<!tpu.dma_semaphore, #tpu.memory_space<semaphore_mem>>
    %dma_start3A_104 = arith.constant 0 : i32
    %dma_start3A_105 = tpu.memref_slice %arg4[%add3A_98, %dma_start3A_104] : memref<32768x1024xf32, #tpu.memory_space<hbm>> -> memref<16x1024xf32, #tpu.memory_space<hbm>>
    tpu.enqueue_dma source(%arg9 : memref<16x1024xf32, #tpu.memory_space<vmem>>) target(%dma_start3A_105 : memref<16x1024xf32, #tpu.memory_space<hbm>>) target_semaphore(%dma_start3A_103 : memref<!tpu.dma_semaphore, #tpu.memory_space<semaphore_mem>>)
    %add3A_106 = arith.constant 960 : i32
    %add3A_107 = arith.addi %mul3A_2, %add3A_106 : i32
    %dma_wait3A_108 = arith.constant 0 : i32
    %dma_wait3A_109 = arith.constant 0 : i32
    %dma_wait3A_110 = tpu.memref_slice %arg4[%add3A_107, %dma_wait3A_109] : memref<32768x1024xf32, #tpu.memory_space<hbm>> -> memref<16x1024xf32, #tpu.memory_space<hbm>>
    %dma_wait3A_111 = tpu.memref_slice %arg11[%dma_wait3A_108] : memref<4x!tpu.dma_semaphore, #tpu.memory_space<semaphore_mem>> -> memref<1x!tpu.dma_semaphore, #tpu.memory_space<semaphore_mem>>
    %dma_wait3A_112 = tpu.memref_squeeze %dma_wait3A_111 : memref<1x!tpu.dma_semaphore, #tpu.memory_space<semaphore_mem>> -> memref<!tpu.dma_semaphore, #tpu.memory_space<semaphore_mem>>
    %dma_wait3A_113 = arith.constant 0 : i32
    %dma_wait3A_114 = tpu.memref_slice %arg4[%add3A_107, %dma_wait3A_113] : memref<32768x1024xf32, #tpu.memory_space<hbm>> -> memref<16x1024xf32, #tpu.memory_space<hbm>>
    tpu.wait_dma2 semaphore(%dma_wait3A_112 : memref<!tpu.dma_semaphore, #tpu.memory_space<semaphore_mem>>) src(%arg6 : memref<16x1024xf32, #tpu.memory_space<vmem>>) dst(%dma_wait3A_114 : memref<16x1024xf32, #tpu.memory_space<hbm>>)
    %add3A_115 = arith.constant 976 : i32
    %add3A_116 = arith.addi %mul3A_2, %add3A_115 : i32
    %dma_wait3A_117 = arith.constant 1 : i32
    %dma_wait3A_118 = arith.constant 0 : i32
    %dma_wait3A_119 = tpu.memref_slice %arg4[%add3A_116, %dma_wait3A_118] : memref<32768x1024xf32, #tpu.memory_space<hbm>> -> memref<16x1024xf32, #tpu.memory_space<hbm>>
    %dma_wait3A_120 = tpu.memref_slice %arg11[%dma_wait3A_117] : memref<4x!tpu.dma_semaphore, #tpu.memory_space<semaphore_mem>> -> memref<1x!tpu.dma_semaphore, #tpu.memory_space<semaphore_mem>>
    %dma_wait3A_121 = tpu.memref_squeeze %dma_wait3A_120 : memref<1x!tpu.dma_semaphore, #tpu.memory_space<semaphore_mem>> -> memref<!tpu.dma_semaphore, #tpu.memory_space<semaphore_mem>>
    %dma_wait3A_122 = arith.constant 0 : i32
    %dma_wait3A_123 = tpu.memref_slice %arg4[%add3A_116, %dma_wait3A_122] : memref<32768x1024xf32, #tpu.memory_space<hbm>> -> memref<16x1024xf32, #tpu.memory_space<hbm>>
    tpu.wait_dma2 semaphore(%dma_wait3A_121 : memref<!tpu.dma_semaphore, #tpu.memory_space<semaphore_mem>>) src(%arg7 : memref<16x1024xf32, #tpu.memory_space<vmem>>) dst(%dma_wait3A_123 : memref<16x1024xf32, #tpu.memory_space<hbm>>)
    %add3A_124 = arith.constant 992 : i32
    %add3A_125 = arith.addi %mul3A_2, %add3A_124 : i32
    %dma_wait3A_126 = arith.constant 2 : i32
    %dma_wait3A_127 = arith.constant 0 : i32
    %dma_wait3A_128 = tpu.memref_slice %arg4[%add3A_125, %dma_wait3A_127] : memref<32768x1024xf32, #tpu.memory_space<hbm>> -> memref<16x1024xf32, #tpu.memory_space<hbm>>
    %dma_wait3A_129 = tpu.memref_slice %arg11[%dma_wait3A_126] : memref<4x!tpu.dma_semaphore, #tpu.memory_space<semaphore_mem>> -> memref<1x!tpu.dma_semaphore, #tpu.memory_space<semaphore_mem>>
    %dma_wait3A_130 = tpu.memref_squeeze %dma_wait3A_129 : memref<1x!tpu.dma_semaphore, #tpu.memory_space<semaphore_mem>> -> memref<!tpu.dma_semaphore, #tpu.memory_space<semaphore_mem>>
    %dma_wait3A_131 = arith.constant 0 : i32
    %dma_wait3A_132 = tpu.memref_slice %arg4[%add3A_125, %dma_wait3A_131] : memref<32768x1024xf32, #tpu.memory_space<hbm>> -> memref<16x1024xf32, #tpu.memory_space<hbm>>
    tpu.wait_dma2 semaphore(%dma_wait3A_130 : memref<!tpu.dma_semaphore, #tpu.memory_space<semaphore_mem>>) src(%arg8 : memref<16x1024xf32, #tpu.memory_space<vmem>>) dst(%dma_wait3A_132 : memref<16x1024xf32, #tpu.memory_space<hbm>>)
    %add3A_133 = arith.constant 1008 : i32
    %add3A_134 = arith.addi %mul3A_2, %add3A_133 : i32
    %dma_wait3A_135 = arith.constant 3 : i32
    %dma_wait3A_136 = arith.constant 0 : i32
    %dma_wait3A_137 = tpu.memref_slice %arg4[%add3A_134, %dma_wait3A_136] : memref<32768x1024xf32, #tpu.memory_space<hbm>> -> memref<16x1024xf32, #tpu.memory_space<hbm>>
    %dma_wait3A_138 = tpu.memref_slice %arg11[%dma_wait3A_135] : memref<4x!tpu.dma_semaphore, #tpu.memory_space<semaphore_mem>> -> memref<1x!tpu.dma_semaphore, #tpu.memory_space<semaphore_mem>>
    %dma_wait3A_139 = tpu.memref_squeeze %dma_wait3A_138 : memref<1x!tpu.dma_semaphore, #tpu.memory_space<semaphore_mem>> -> memref<!tpu.dma_semaphore, #tpu.memory_space<semaphore_mem>>
    %dma_wait3A_140 = arith.constant 0 : i32
    %dma_wait3A_141 = tpu.memref_slice %arg4[%add3A_134, %dma_wait3A_140] : memref<32768x1024xf32, #tpu.memory_space<hbm>> -> memref<16x1024xf32, #tpu.memory_space<hbm>>
    tpu.wait_dma2 semaphore(%dma_wait3A_139 : memref<!tpu.dma_semaphore, #tpu.memory_space<semaphore_mem>>) src(%arg9 : memref<16x1024xf32, #tpu.memory_space<vmem>>) dst(%dma_wait3A_141 : memref<16x1024xf32, #tpu.memory_space<hbm>>)
    return
  }
}

</mosaic_0001>

<sc_bundles>
// kernel: kernel.3.cloned.1.call-start
scs
__scs_entry_jumppad:
0x0: {  	(pc) =	sbr.rel $0x88, $3  }
0x1: {  	(tag) =	ssettag $0x0;
	lr =	simm.s32 $0x1  }
0x2: {  	[smem:$0x3F9F] =	sst lr;
	_ =	strace $0xD0000000  }
0x3: {  	_ = 	snop  }
0x4: {  	_ = 	snop  }
0x5: {  	_ = 	snop  }
0x6: {  	_ = 	snop  }
0x7: {  	_ = 	snop  }
__scs_overlays_trampoline_lowered:
0x8: {  	[smem:$0x3FAE] =	sst s0  }
0x9: {  	[smem:$0x3FAF] =	sst s1  }
0xa: {  	[smem:$0x3FB0] =	sst s2  }
0xb: {  	[smem:$0x3FB1] =	sst s3  }
0xc: {  	[smem:$0x3FB2] =	sst s4  }
0xd: {  	[smem:$0x3FB3] =	sst s5  }
0xe: {  	[smem:$0x3FB4] =	sst s6  }
0xf: {  	[smem:$0x3FB5] =	sst s7  }
0x10: {  	[smem:$0x3FB6] =	sst s8  }
0x11: {  	[smem:$0x3FB7] =	sst s9;
	s0 =	simm.s32 @!p0 $0x0  }
0x12: {  	s1 =	sld [smem:$0x3F9D];
	s0 =	simm.s32 @p0 $0x1  }
0x13: {  	[smem:$0x3FB8] =	sst s0;
	s0 =	simm.s32 @!p1 $0x0  }
0x14: {  	s2 =	sld [smem:$0x3F9C];
	s0 =	simm.s32 @p1 $0x1  }
0x15: {  	[smem:$0x3FB9] =	sst s0;
	s0 =	simm.s32 @!p2 $0x0  }
0x16: {  	s3 =	sld [smem:$0x3FDB];
	s0 =	simm.s32 @p2 $0x1  }
0x17: {  	s4 =	simm.s32 $0x1BF5;
	[smem:$0x3FBB] =	sst s0  }
0x18: {  	s0 =	sld [smem:$0x3F9E];
	_ =	swait.ge [sflag:s4], $0x0  }
0x19: {  	s7 =	sld [smem:$0x3F9F]  }
0x1a: {  	s8 =	sadd.s32 $0xFFFFE003, lr  }
0x1b: {  	s9 =	sadd.s32 $0xFFFFFEF7, lr;
	s5 =	simm.s32 $0xFFFFFFFF;
	p2 =	slt.u32 s8, $0xFFFFF086  }
0x1c: {  	p1 =	slt.u32 s9, $0xF7A;
	s5 =	simm.s32 @!p2 $0x0  }
0x1d: {  	s5 =	simm.s32 @p1 $0x1;
	p0 =	seq.s32 s7, s2  }
0x1e: {  	s7 =	smul.u32 @!p0 $0xF7A, s2;
	p2 =	seq.s32 @!p0 s5, $0x0  }
0x1f: {  	s9 =	smul.u32 $0xF7A, s1;
	s8 =	simm.s32 @!p0 $0x1BF5;
	p2 =	por !p2, p0  }
0x20: {  	[sflag:s8] =	ssyncset.s32 @!p0 $0xFFFFF086;
	s6 =	sadd.s32 @!p0 s3, s7;
	s7 =	simm.s32 @!p0 $0x108  }
0x21: {  	s3 =	sadd.s32 s3, s9;
	s6 =	sadd.s32 @!p0 $0x88, s6;
	s7 =	simm.s32 @p2 $0x1082  }
0x22: {  	[simem:s7], [sflag:s8] =	dma.local @!p0 [hbm:s6], $0xF7A  }
0x23: {  	s9 =	sor.u32 $0xD0000000, s2;
	s6 =	simm.s32 $0x108;
	_ =	swait.ge @!p0 [sflag:s8], $0x0  }
0x24: {  	s3 =	sadd.s32 $0x88, s3;
	s6 =	simm.s32 @!p1 $0x1082;
	[sflag:s4] =	ssyncset.s32 $0xFFFFF086  }
0x25: {  	[simem:s6], [sflag:s4] =	dma.local [hbm:s3], $0xF7A  }
0x26: {  	[smem:$0x3F9F] =	sst s1;
	(tag) =	ssettag s2;
	_ =	strace s9  }
0x27: {  	s1 =	sld [smem:$0x3FAF]  }
0x28: {  	s2 =	sld [smem:$0x3FB0]  }
0x29: {  	s4 =	sld [smem:$0x3FB2]  }
0x2a: {  	p0 =	seq.s32 s5, $0x0;
	s5 =	sld [smem:$0x3FB3]  }
0x2b: {  	s6 =	sld [smem:$0x3FB4]  }
0x2c: {  	s7 =	sld [smem:$0x3FB5]  }
0x2d: {  	s3 =	simm.s32 $0x108;
	s8 =	sld [smem:$0x3FB6]  }
0x2e: {  	s3 =	simm.s32 @!p0 $0x1082;
	s9 =	sld [smem:$0x3FB7]  }
0x2f: {  	lr =	sadd.s32 s0, s3;
	s0 =	sld [smem:$0x3FAE]  }
0x30: {  	s3 =	sld [smem:$0x3FB1]  }
0x31: {  	[smem:$0x3FBA] =	sst s10  }
0x32: {  	s10 =	sld [smem:$0x3FB8];
	_ =	sdelay $0x3  }
0x33: {  	p0 =	seq.s32 s10, $0x1;
	s10 =	sld [smem:$0x3FBA];
	_ =	sdelay $0x3  }
0x34: {  	[smem:$0x3FBA] =	sst s10  }
0x35: {  	s10 =	sld [smem:$0x3FB9];
	_ =	sdelay $0x3  }
0x36: {  	p1 =	seq.s32 s10, $0x1;
	s10 =	sld [smem:$0x3FBA];
	_ =	sdelay $0x3  }
0x37: {  	[smem:$0x3FBA] =	sst s10  }
0x38: {  	s10 =	sld [smem:$0x3FBB]  }
0x39: {  	_ = 	snop;
	(pc) =	sbr.ind lr, $3  }
0x3a: {  	_ = 	snop  }
0x3b: {  	_ = 	snop  }
0x3c: {  	p2 =	seq.s32 s10, $0x1;
	s10 =	sld [smem:$0x3FBA]  }
0x3d: {  	_ =	shalt  }
0x3e: {  	_ =	shalt  }
0x3f: {  	_ =	shalt  }
0x40: {  	_ =	shalt  }
0x41: {  	_ =	shalt  }
0x42: {  	_ =	shalt  }
0x43: {  	_ =	shalt  }
0x44: {  	_ =	shalt  }
0x45: {  	_ =	shalt  }
0x46: {  	_ =	shalt  }
0x47: {  	_ =	shalt  }
0x48: {  	_ =	shalt  }
0x49: {  	_ =	shalt  }
0x4a: {  	_ =	shalt  }
0x4b: {  	_ =	shalt  }
0x4c: {  	_ =	shalt  }
0x4d: {  	_ =	shalt  }
0x4e: {  	_ =	shalt  }
0x4f: {  	_ =	shalt  }
0x50: {  	_ =	shalt  }
0x51: {  	_ =	shalt  }
0x52: {  	_ =	shalt  }
0x53: {  	_ =	shalt  }
0x54: {  	_ =	shalt  }
0x55: {  	_ =	shalt  }
0x56: {  	_ =	shalt  }
0x57: {  	_ =	shalt  }
0x58: {  	_ =	shalt  }
0x59: {  	_ =	shalt  }
0x5a: {  	_ =	shalt  }
0x5b: {  	_ =	shalt  }
0x5c: {  	_ =	shalt  }
0x5d: {  	_ =	shalt  }
0x5e: {  	_ =	shalt  }
0x5f: {  	_ =	shalt  }
0x60: {  	_ =	shalt  }
0x61: {  	_ =	shalt  }
0x62: {  	_ =	shalt  }
0x63: {  	_ =	shalt  }
0x64: {  	_ =	shalt  }
0x65: {  	_ =	shalt  }
0x66: {  	_ =	shalt  }
0x67: {  	_ =	shalt  }
0x68: {  	_ =	shalt  }
0x69: {  	_ =	shalt  }
0x6a: {  	_ =	shalt  }
0x6b: {  	_ =	shalt  }
0x6c: {  	_ =	shalt  }
0x6d: {  	_ =	shalt  }
0x6e: {  	_ =	shalt  }
0x6f: {  	_ =	shalt  }
0x70: {  	_ =	shalt  }
0x71: {  	_ =	shalt  }
0x72: {  	_ =	shalt  }
0x73: {  	_ =	shalt  }
0x74: {  	_ =	shalt  }
0x75: {  	_ =	shalt  }
0x76: {  	_ =	shalt  }
0x77: {  	_ =	shalt  }
0x78: {  	_ =	shalt  }
0x79: {  	_ =	shalt  }
0x7a: {  	_ =	shalt  }
0x7b: {  	_ =	shalt  }
0x7c: {  	_ =	shalt  }
0x7d: {  	_ =	shalt  }
0x7e: {  	_ =	shalt  }
0x7f: {  	_ =	shalt  }
0x80: {  	_ =	shalt  }
0x81: {  	_ =	shalt  }
0x82: {  	_ =	shalt  }
0x83: {  	_ =	shalt  }
0x84: {  	_ =	shalt  }
0x85: {  	_ =	shalt  }
0x86: {  	_ =	shalt  }
0x87: {  	_ =	shalt  }
.Lfunc_end0:
.L_simem_size_0:
called_computation_lowered:
.L_overlay_start_0:
0x88: {  	s2 =	sld [smem:$0x3FD9]  }
0x89: {  	s3 =	sld [smem:$0x3FFE];
	_ =	sdelay $0x1  }
0x8a: {  	s1 =	srdreg.scid  }
0x8b: {  	s0 =	sand.u32 $0x1, s1  }
0x8c: {  	s17 =	sshll.u32 s0, $0xA;
	s2 =	sadd.s32 s3, s2  }
0x8d: {  	s2 =	sadd.s32 s2, s17  }
0x8e: {  	[smem:$0x3FC6] =	sst s2  }
0x8f: {  	_ = 	snop  }
0x90: {  	s2 =	sld [smem:$0x3FC8]  }
0x91: {  	s18 =	sld [smem:$0x3FD0];
	(tm) =	ssettm $0x1  }
0x92: {  	s4 =	sld [smem:$0x3FFB];
	_ =	sdelay $0x3  }
0x93: {  	_ =	strace s4  }
0x94: {  	s4 =	sld [smem:$0x3FFC];
	_ =	sdelay $0x3  }
0x95: {  	_ =	strace s4  }
0x96: {  	s4 =	sld [smem:$0x3FFD];
	_ =	sdelay $0x3  }
0x97: {  	_ =	strace s4  }
0x98: {  	_ =	strace $0x8FFFFFFF  }
0x99: {  	s19 =	sld [smem:$0x3FDB];
	_ =	sdelay $0x1  }
0x9a: {  	s5 =	simm.s32 $_scs_section_size  }
0x9b: {  	s6 =	simm.s32 $_size__tile_overlayer_lowered;
	s7 =	simm.s32 $_tile_overlayer_lowered  }
0x9c: {  	s22 =	simm.s32 $0x1BFF;
	s21 =	sshll.u32 s7, $0x1;
	s4 =	sadd.s32 s5, s19  }
0x9d: {  	s8 =	simm.s32 $0x0;
	s20 =	sshll.u32 s6, $0x1;
	s6 =	sadd.s32 s21, s4  }
0x9e: {  	[timem:s8], [sflag:s22] =	dma.local [hbm:s6], s20  }
0x9f: {  	_ =	swait.ge [sflag:s22], s20  }
0xa0: {  	s5 =	ssub.s32 $0x0, s20;
	[sflag:s22] =	ssyncset.done $0x0  }
0xa1: {  	[sflag:s22] =	ssyncadd.s32 s5;
	_ =	sdelay $0x1  }
0xa2: {  	s23 =	simm.s32 $0x1B8B  }
0xa3: {  	_ =	swait.ge [sflag:s23], $0x1  }
0xa4: {  	[sflag:s23] =	ssyncset.done $0x0  }
0xa5: {  	s25 =	simm.s32 $0x1B8E;
	s24 =	sld [smem:$0x3FFE];
	[sflag:s23] =	ssyncadd.s32 $0xFFFFFFFF  }
0xa6: {  	s26 =	simm.s32 $execute0_lowered;
	[smem:$0x3FD2] =	sst s25  }
0xa7: {  	s6 =	sshll.u32 s26, $0x1;
	_ =	strace $0x80000046;
	[dreg:$0x1] =	wrdreg $0xFFFFFFFF  }
0xa8: {  	s28 =	simm.s32 $_size_execute0_lowered;
	s4 =	sadd.s32 s4, s6;
	[dreg:$0x0] =	wrdreg $0x0  }
0xa9: {  	s6 =	sshll.u32 s28, $0x1;
	[dreg:$0x2] =	wrdreg s4  }
0xaa: {  	[dreg:$0x3] =	wrdreg s6  }
0xab: {  	[dreg:$0x4] =	wrdreg $0xC0  }
0xac: {  	_ =	task [dreg:s8], $0x5FFFF  }
0xad: {  	[dreg:$0x1] =	wrdreg $0xFFFFFFFF  }
0xae: {  	[dreg:$0x0] =	wrdreg $0x60  }
0xaf: {  	[dreg:$0x2] =	wrdreg s2  }
0xb0: {  	[dreg:$0x3] =	wrdreg s24  }
0xb1: {  	[dreg:$0x4] =	wrdreg s18  }
0xb2: {  	[dreg:$0x5] =	wrdreg $0x9  }
0xb3: {  	_ =	task.clear_ibuf [dreg:s8], $0x6FFFF;
	_ =	strace $0x90000046  }
0xb4: {  	s29 =	simm.s32 $0x9;
	_ =	strace $0x80000048  }
0xb5: {  	_ =	swait.ge [sflag:s29], $0x1  }
0xb6: {  	[sflag:s29] =	ssyncadd.s32 $0xFFFFFFFF  }
0xb7: {  	_ =	strace $0x90000048  }
0xb8: {  	_ =	sfence  }
0xb9: {  	s30 =	sld [smem:$0x0];
	_ =	sdelay $0x2  }
0xba: {  	s31 =	sshll.u32 s1, $0xD;
	s1 =	sshrl.u32 s1, $0x2  }
0xbb: {  	s3 =	sand.u32 $0x4000, s31;
	s1 =	sadd.s32 s1, s30  }
0xbc: {  	s0 =	sor.u32 s3, s0;
	s1 =	sshll.u32 s1, $0x11  }
0xbd: {  	s0 =	sor.u32 s1, s0  }
0xbe: {  	s0 =	sadd.s32 $0x8F2B, s0  }
0xbf: {  	[sflag:s0] =	ssyncadd.remote.s32 $0x1  }
0xc0: {  	_ =	sfence.sel $0xFFFF  }
0xc1: {  	[dreg:$0x0] =	wrdreg $0xFFFFFFFF;
	(pc) =	sbr.abs _section_cstart, $3  }
0xc2: {  	[dreg:$0x1] =	wrdreg $0xFFFFFFFF  }
0xc3: {  	_ =	task.clear_ibuf [dreg:s8], $0x2FFFF;
	_ =	strace $0x9FFFFFFF  }
0xc4: {  	(tm) =	ssettm $0x7FFFFFFF  }
0xc5: {  	_ =	shalt  }
tec
execute0_lowered:
.L_overlay_start_1:
0x0: {  	(tag) =	ssettag $0x1  }
0x1: {  	s2 =	rddreg [dreg:$0x0]  }
0x2: {  	s0 =	rddreg [dreg:$0x1];
	s1 =	srdreg.scid  }
0x3: {  	s4 =	rddreg [dreg:$0x2];
	s10 =	stileid.u32  }
0x4: {  	s3 =	simm.s32 $0x0;
	s11 =	simm.s32 $0x2C00;
	s12 =	simm.s32 $0x3400  }
0x5: {  	s16 =	simm.s32 $0x3C00;
	s17 =	simm.s32 $0x4C00;
	s18 =	simm.s32 $0x5400  }
0x6: {  	s14 =	simm.s32 $0x6400;
	s31 =	simm.s32 $0x1;
	s13 =	simm.s32 $0x2  }
0x7: {  	s15 =	simm.s32 $0xC400;
	s28 =	simm.s32 $0x6;
	s29 =	simm.s32 $0x7  }
0x8: {  	s30 =	simm.s32 $0x8;
	s1 =	sand.u32 $0x1, s1;
	s6 =	sshll.u32 s10, $0xA  }
0x9: {  	[smem:$0x7FF] =	sst s3;
	s22 =	sshll.u32 s10, $0x11;
	s10 =	simm.s32 $0x8400  }
0xa: {  	s5 =	sshll.u32 s1, $0xE;
	s19 =	ssub.s32 $0x2, s1;
	_ =	strace $0x80000047  }
0xb: {  	s1 =	sshll.u32 s1, $0x15;
	s8 =	sor.u32 s6, s5;
	s7 =	sshrl.u32 s19, $0x1  }
0xc: {  	s5 =	sadd.s32 $0x100, s2;
	s21 =	sadd.s32 s1, s4;
	s1 =	simm.s32 $0x0  }
0xd: {  	s6 =	sshrl.u32 s8, $0x3;
	s9 =	ssub.s32 s19, s7;
	s7 =	sadd.s32 $0x300, s2  }
0xe: {  	s20 =	sshll.u32 s8, $0x7;
	s19 =	simm.s32 $0x5C00;
	[dreg:$0xb] =	wrdreg s1  }
0xf: {  	s0 =	sadd.s32 s6, s0;
	s6 =	sadd.s32 $0x200, s2;
	s8 =	sadd.s32 s4, s20  }
0x10: {  	s26 =	smax.u32 s9, $0x1;
	s20 =	simm.s32 $0x400;
	[dreg:$0x6] =	wrdreg s8  }
0x11: {  	s4 =	simm.s32 $0xC00;
	s0 =	sadd.s32 $0x400, s0;
	[dreg:$0xa] =	wrdreg s26  }
0x12: {  	s9 =	simm.s32 $0x1400;
	s23 =	sadd.s32 $0x800, s8;
	[dreg:$0x5] =	wrdreg s0  }
0x13: {  	s24 =	sadd.s32 $0x1F000, s8;
	s25 =	sadd.s32 $0x1F800, s8;
	[dreg:$0x7] =	wrdreg s23  }
0x14: {  	s8 =	simm.s32 $0x1C00;
	s26 =	simm.s32 $0x4;
	[dreg:$0x8] =	wrdreg s24  }
0x15: {  	v2 =	vlaneseq.u32;
	s0 =	sadd.s32 s22, s21;
	[dreg:$0x9] =	wrdreg s25;
	s22 =	simm.s32 $0x2400  }
0x16: {  	vm0 =	vmmov $0xffff;
	v1 =	vshrl.u32 v2, $0x3;
	s21 =	simm.s32 $0x6C00;
	s23 =	simm.s32 $0x7400;
	s24 =	simm.s32 $0x3  }
0x17: {  	v0 =	vand.u32 $0x7, v2;
	v2 =	vor.u32 $0x8, v2;
	v1 =	vmul.u32 $0x8, v1;
	s25 =	simm.s32 $0x5;
	[dreg:$0x4] =	wrdreg s0;
	s0 =	simm.s32 $0x4400  }
.LBB2_1:
0x18: {  	s1 =	rddreg [dreg:$0x5]  }
0x19: {  	[tilespmem:s3], [sflag:$0x9] =	stream.linear.gather [hbm4b:s1+s3], $0x400, $0x38;
	[tilespmem:$0x10400] =	vst v63  }
0x1a: {  	s1 =	simm.s32 $0x9  }
0x1b: {  	_ =	swait.ge [sflag:s1], $0x400  }
0x1c: {  	[sflag:s1] =	ssyncset.done $0x0  }
0x1d: {  	[sflag:s1] =	ssyncadd.s32 $0xFFFFFC00  }
0x1e: {  	v3 =	vld [tilespmem:$0x0];
	_ =	sdelay $0x4  }
0x1f: {  	v4 =	vshll.u32 v3, $0x3  }
0x20: {  	v3 =	vand.u32 $0x7, v3;
	v4 =	vand.u32 $0xFFFFFFC0, v4  }
0x21: {  	v3 =	vor.u32 v3, v4  }
0x22: {  	v4 =	vperm.xlane v3, v0;
	_ =	sdelay $0x1  }
0x23: {  	v4 =	vadd.s32 v1, v4;
	_ =	sdelay $0x4  }
0x24: {  	[tilespmem:s20], [sflag:$0x1] =	stream.indirect_vreg.gather [hbm4b:s2+s3], $0x80, v4, vm0, $0xb8;
	[tilespmem:$0x10400] =	vst v63  }
0x25: {  	v3 =	vperm.xlane v3, v2  }
0x26: {  	[tilespmem:s4], [sflag:$0x1] =	stream.indirect_vreg.gather [hbm4b:s5+s3], $0x80, v4, vm0, $0xb8;
	[tilespmem:$0x10400] =	vst v63  }
0x27: {  	v3 =	vadd.s32 v1, v3  }
0x28: {  	[tilespmem:s9], [sflag:$0x1] =	stream.indirect_vreg.gather [hbm4b:s6+s3], $0x80, v4, vm0, $0xb8;
	[tilespmem:$0x10400] =	vst v63  }
0x29: {  	_ = 	snop  }
0x2a: {  	[tilespmem:s8], [sflag:$0x1] =	stream.indirect_vreg.gather [hbm4b:s7+s3], $0x80, v4, vm0, $0xb8;
	[tilespmem:$0x10400] =	vst v63  }
0x2b: {  	_ = 	snop  }
0x2c: {  	[tilespmem:s22], [sflag:$0x1] =	stream.indirect_vreg.gather [hbm4b:s2+s3], $0x80, v3, vm0, $0xb8;
	[tilespmem:$0x10400] =	vst v63  }
0x2d: {  	_ = 	snop  }
0x2e: {  	[tilespmem:s11], [sflag:$0x1] =	stream.indirect_vreg.gather [hbm4b:s5+s3], $0x80, v3, vm0, $0xb8;
	[tilespmem:$0x10400] =	vst v63  }
0x2f: {  	_ = 	snop  }
0x30: {  	[tilespmem:s12], [sflag:$0x1] =	stream.indirect_vreg.gather [hbm4b:s6+s3], $0x80, v3, vm0, $0xb8;
	[tilespmem:$0x10400] =	vst v63  }
0x31: {  	_ = 	snop  }
0x32: {  	[tilespmem:s16], [sflag:$0x1] =	stream.indirect_vreg.gather [hbm4b:s7+s3], $0x80, v3, vm0, $0xb8;
	[tilespmem:$0x10400] =	vst v63  }
0x33: {  	v3 =	vld [tilespmem:$0x10];
	_ =	sdelay $0x4  }
0x34: {  	v61 =	vshll.u32 v3, $0x3  }
0x35: {  	v3 =	vand.u32 $0x7, v3;
	v4 =	vand.u32 $0xFFFFFFC0, v61  }
0x36: {  	v3 =	vor.u32 v3, v4  }
0x37: {  	v4 =	vperm.xlane v3, v0;
	_ =	sdelay $0x1  }
0x38: {  	v4 =	vadd.s32 v1, v4;
	_ =	sdelay $0x4  }
0x39: {  	[tilespmem:s0], [sflag:$0x2] =	stream.indirect_vreg.gather [hbm4b:s2+s3], $0x80, v4, vm0, $0xb8;
	[tilespmem:$0x10400] =	vst v63  }
0x3a: {  	v3 =	vperm.xlane v3, v2  }
0x3b: {  	[tilespmem:s17], [sflag:$0x2] =	stream.indirect_vreg.gather [hbm4b:s5+s3], $0x80, v4, vm0, $0xb8;
	[tilespmem:$0x10400] =	vst v63  }
0x3c: {  	v3 =	vadd.s32 v1, v3  }
0x3d: {  	[tilespmem:s18], [sflag:$0x2] =	stream.indirect_vreg.gather [hbm4b:s6+s3], $0x80, v4, vm0, $0xb8;
	[tilespmem:$0x10400] =	vst v63  }
0x3e: {  	_ = 	snop  }
0x3f: {  	[tilespmem:s19], [sflag:$0x2] =	stream.indirect_vreg.gather [hbm4b:s7+s3], $0x80, v4, vm0, $0xb8;
	[tilespmem:$0x10400] =	vst v63  }
0x40: {  	_ = 	snop  }
0x41: {  	[tilespmem:s14], [sflag:$0x2] =	stream.indirect_vreg.gather [hbm4b:s2+s3], $0x80, v3, vm0, $0xb8;
	[tilespmem:$0x10400] =	vst v63  }
0x42: {  	_ = 	snop  }
0x43: {  	[tilespmem:s21], [sflag:$0x2] =	stream.indirect_vreg.gather [hbm4b:s5+s3], $0x80, v3, vm0, $0xb8;
	[tilespmem:$0x10400] =	vst v63  }
0x44: {  	_ = 	snop  }
0x45: {  	[tilespmem:s23], [sflag:$0x2] =	stream.indirect_vreg.gather [hbm4b:s6+s3], $0x80, v3, vm0, $0xb8;
	[tilespmem:$0x10400] =	vst v63  }
0x46: {  	s4 =	simm.s32 $0x7C00  }
0x47: {  	[tilespmem:s4], [sflag:$0x2] =	stream.indirect_vreg.gather [hbm4b:s7+s3], $0x80, v3, vm0, $0xb8;
	[tilespmem:$0x10400] =	vst v63  }
0x48: {  	_ =	swait.ge [sflag:s31], $0x4000  }
0x49: {  	[sflag:s31] =	ssyncset.done $0x0  }
0x4a: {  	s8 =	rddreg [dreg:$0x6];
	[sflag:s31] =	ssyncadd.s32 $0xFFFFC000  }
0x4b: {  	[hbm4b:s8+s3] =	stream.linear.scatter [tilespmem:s20], [sflag:$0x5], $0x4000, $0x38;
	[tilespmem:$0x10400] =	vst v63  }
0x4c: {  	v3 =	vld [tilespmem:$0x20];
	_ =	sdelay $0x4  }
0x4d: {  	v62 =	vshll.u32 v3, $0x3  }
0x4e: {  	v3 =	vand.u32 $0x7, v3;
	v4 =	vand.u32 $0xFFFFFFC0, v62  }
0x4f: {  	v3 =	vor.u32 v3, v4  }
0x50: {  	v4 =	vperm.xlane v3, v0;
	_ =	sdelay $0x1  }
0x51: {  	v4 =	vadd.s32 v1, v4;
	_ =	sdelay $0x4  }
0x52: {  	[tilespmem:s10], [sflag:$0x3] =	stream.indirect_vreg.gather [hbm4b:s2+s3], $0x80, v4, vm0, $0xb8;
	[tilespmem:$0x10400] =	vst v63  }
0x53: {  	s9 =	simm.s32 $0x8C00;
	v3 =	vperm.xlane v3, v2  }
0x54: {  	[tilespmem:s9], [sflag:$0x3] =	stream.indirect_vreg.gather [hbm4b:s5+s3], $0x80, v4, vm0, $0xb8;
	[tilespmem:$0x10400] =	vst v63  }
0x55: {  	v3 =	vadd.s32 v1, v3;
	s10 =	simm.s32 $0x9400  }
0x56: {  	[tilespmem:s10], [sflag:$0x3] =	stream.indirect_vreg.gather [hbm4b:s6+s3], $0x80, v4, vm0, $0xb8;
	[tilespmem:$0x10400] =	vst v63  }
0x57: {  	s11 =	simm.s32 $0x9C00  }
0x58: {  	[tilespmem:s11], [sflag:$0x3] =	stream.indirect_vreg.gather [hbm4b:s7+s3], $0x80, v4, vm0, $0xb8;
	[tilespmem:$0x10400] =	vst v63  }
0x59: {  	s12 =	simm.s32 $0xA400  }
0x5a: {  	[tilespmem:s12], [sflag:$0x3] =	stream.indirect_vreg.gather [hbm4b:s2+s3], $0x80, v3, vm0, $0xb8;
	[tilespmem:$0x10400] =	vst v63  }
0x5b: {  	s14 =	simm.s32 $0xAC00  }
0x5c: {  	[tilespmem:s14], [sflag:$0x3] =	stream.indirect_vreg.gather [hbm4b:s5+s3], $0x80, v3, vm0, $0xb8;
	[tilespmem:$0x10400] =	vst v63  }
0x5d: {  	s16 =	simm.s32 $0xB400  }
0x5e: {  	[tilespmem:s16], [sflag:$0x3] =	stream.indirect_vreg.gather [hbm4b:s6+s3], $0x80, v3, vm0, $0xb8;
	[tilespmem:$0x10400] =	vst v63  }
0x5f: {  	s17 =	simm.s32 $0xBC00  }
0x60: {  	[tilespmem:s17], [sflag:$0x3] =	stream.indirect_vreg.gather [hbm4b:s7+s3], $0x80, v3, vm0, $0xb8;
	[tilespmem:$0x10400] =	vst v63  }
0x61: {  	_ =	swait.ge [sflag:s13], $0x4000  }
0x62: {  	[sflag:s13] =	ssyncset.done $0x0  }
0x63: {  	s18 =	rddreg [dreg:$0x7];
	[sflag:s13] =	ssyncadd.s32 $0xFFFFC000  }
0x64: {  	[hbm4b:s18+s3] =	stream.linear.scatter [tilespmem:s0], [sflag:$0x6], $0x4000, $0x38;
	[tilespmem:$0x10400] =	vst v63  }
0x65: {  	v3 =	vld [tilespmem:$0x30];
	_ =	sdelay $0x4  }
0x66: {  	v63 =	vshll.u32 v3, $0x3  }
0x67: {  	v3 =	vand.u32 $0x7, v3;
	v4 =	vand.u32 $0xFFFFFFC0, v63  }
0x68: {  	v3 =	vor.u32 v3, v4  }
0x69: {  	v4 =	vperm.xlane v3, v0;
	_ =	sdelay $0x1  }
0x6a: {  	v4 =	vadd.s32 v1, v4;
	_ =	sdelay $0x4  }
0x6b: {  	[tilespmem:s15], [sflag:$0x4] =	stream.indirect_vreg.gather [hbm4b:s2+s3], $0x80, v4, vm0, $0xb8;
	[tilespmem:$0x10400] =	vst v63  }
0x6c: {  	s19 =	simm.s32 $0xCC00;
	v3 =	vperm.xlane v3, v2  }
0x6d: {  	[tilespmem:s19], [sflag:$0x4] =	stream.indirect_vreg.gather [hbm4b:s5+s3], $0x80, v4, vm0, $0xb8;
	[tilespmem:$0x10400] =	vst v63  }
0x6e: {  	s1 =	simm.s32 $0x70;
	s22 =	simm.s32 $0xE400;
	s20 =	simm.s32 $0xD400;
	v3 =	vadd.s32 v1, v3  }
0x6f: {  	[tilespmem:s20], [sflag:$0x4] =	stream.indirect_vreg.gather [hbm4b:s6+s3], $0x80, v4, vm0, $0xb8;
	[tilespmem:$0x10400] =	vst v63  }
0x70: {  	s21 =	simm.s32 $0xDC00;
	s23 =	simm.s32 $0xEC00;
	s4 =	simm.s32 $0x0  }
0x71: {  	[tilespmem:s21], [sflag:$0x4] =	stream.indirect_vreg.gather [hbm4b:s7+s3], $0x80, v4, vm0, $0xb8;
	[tilespmem:$0x10400] =	vst v63  }
0x72: {  	s8 =	simm.s32 $0x1C00;
	s11 =	simm.s32 $0x7400;
	s12 =	simm.s32 $0x1400  }
0x73: {  	[tilespmem:s22], [sflag:$0x4] =	stream.indirect_vreg.gather [hbm4b:s2+s3], $0x80, v3, vm0, $0xb8;
	[tilespmem:$0x10400] =	vst v63  }
0x74: {  	s14 =	simm.s32 $0x6C00;
	s16 =	simm.s32 $0x2400;
	s18 =	simm.s32 $0xFC00  }
0x75: {  	[tilespmem:s23], [sflag:$0x4] =	stream.indirect_vreg.gather [hbm4b:s5+s3], $0x80, v3, vm0, $0xb8;
	[tilespmem:$0x10400] =	vst v63  }
0x76: {  	s0 =	simm.s32 $0x4400;
	s19 =	simm.s32 $0x3C00;
	s20 =	simm.s32 $0xF400  }
0x77: {  	[tilespmem:s20], [sflag:$0x4] =	stream.indirect_vreg.gather [hbm4b:s6+s3], $0x80, v3, vm0, $0xb8;
	[tilespmem:$0x10400] =	vst v63  }
0x78: {  	s21 =	simm.s32 $0x5400;
	s22 =	simm.s32 $0x400;
	s23 =	simm.s32 $0x5C00  }
0x79: {  	[tilespmem:s18], [sflag:$0x4] =	stream.indirect_vreg.gather [hbm4b:s7+s3], $0x80, v3, vm0, $0xb8;
	[tilespmem:$0x10400] =	vst v63  }
.LBB2_2:
0x7a: {  	_ =	swait.ge [sflag:s24], $0x4000  }
0x7b: {  	s9 =	rddreg [dreg:$0x4]  }
0x7c: {  	[sflag:s24] =	ssyncset.done $0x0;
	s9 =	sadd.s32 s4, s9  }
0x7d: {  	s17 =	simm.s32 $0x8400;
	[sflag:s24] =	ssyncadd.s32 $0xFFFFC000;
	s10 =	sadd.s32 $0x1000, s9  }
0x7e: {  	[hbm4b:s10+s3] =	stream.linear.scatter [tilespmem:s17], [sflag:$0x7], $0x4000, $0x38;
	[tilespmem:$0x10400] =	vst v63  }
0x7f: {  	_ =	swait.ge [sflag:s25], $0x4000  }
0x80: {  	[sflag:s25] =	ssyncset.done $0x0  }
0x81: {  	[sflag:s25] =	ssyncadd.s32 $0xFFFFC000  }
0x82: {  	v3 =	vld [tilespmem:s1+$0xFFFFFFD0];
	_ =	sdelay $0x4  }
0x83: {  	v4 =	vshll.u32 v3, $0x3  }
0x84: {  	v3 =	vand.u32 $0x7, v3;
	v4 =	vand.u32 $0xFFFFFFC0, v4  }
0x85: {  	v3 =	vor.u32 v3, v4  }
0x86: {  	v4 =	vperm.xlane v3, v0;
	_ =	sdelay $0x1  }
0x87: {  	v4 =	vadd.s32 v1, v4;
	_ =	sdelay $0x4  }
0x88: {  	[tilespmem:s22], [sflag:$0x1] =	stream.indirect_vreg.gather [hbm4b:s2+s3], $0x80, v4, vm0, $0xb8;
	[tilespmem:$0x10400] =	vst v63  }
0x89: {  	s10 =	simm.s32 $0xC00;
	v3 =	vperm.xlane v3, v2  }
0x8a: {  	[tilespmem:s10], [sflag:$0x1] =	stream.indirect_vreg.gather [hbm4b:s5+s3], $0x80, v4, vm0, $0xb8;
	[tilespmem:$0x10400] =	vst v63  }
0x8b: {  	v3 =	vadd.s32 v1, v3  }
0x8c: {  	[tilespmem:s12], [sflag:$0x1] =	stream.indirect_vreg.gather [hbm4b:s6+s3], $0x80, v4, vm0, $0xb8;
	[tilespmem:$0x10400] =	vst v63  }
0x8d: {  	_ = 	snop  }
0x8e: {  	[tilespmem:s8], [sflag:$0x1] =	stream.indirect_vreg.gather [hbm4b:s7+s3], $0x80, v4, vm0, $0xb8;
	[tilespmem:$0x10400] =	vst v63  }
0x8f: {  	_ = 	snop  }
0x90: {  	[tilespmem:s16], [sflag:$0x1] =	stream.indirect_vreg.gather [hbm4b:s2+s3], $0x80, v3, vm0, $0xb8;
	[tilespmem:$0x10400] =	vst v63  }
0x91: {  	s10 =	simm.s32 $0x2C00  }
0x92: {  	[tilespmem:s10], [sflag:$0x1] =	stream.indirect_vreg.gather [hbm4b:s5+s3], $0x80, v3, vm0, $0xb8;
	[tilespmem:$0x10400] =	vst v63  }
0x93: {  	s10 =	simm.s32 $0x3400  }
0x94: {  	[tilespmem:s10], [sflag:$0x1] =	stream.indirect_vreg.gather [hbm4b:s6+s3], $0x80, v3, vm0, $0xb8;
	[tilespmem:$0x10400] =	vst v63  }
0x95: {  	_ = 	snop  }
0x96: {  	[tilespmem:s19], [sflag:$0x1] =	stream.indirect_vreg.gather [hbm4b:s7+s3], $0x80, v3, vm0, $0xb8;
	[tilespmem:$0x10400] =	vst v63  }
0x97: {  	_ =	swait.ge [sflag:s26], $0x4000  }
0x98: {  	[sflag:s26] =	ssyncset.done $0x0  }
0x99: {  	s10 =	sadd.s32 $0x1800, s9;
	[sflag:s26] =	ssyncadd.s32 $0xFFFFC000  }
0x9a: {  	[hbm4b:s10+s3] =	stream.linear.scatter [tilespmem:s15], [sflag:$0x8], $0x4000, $0x38;
	[tilespmem:$0x10400] =	vst v63  }
0x9b: {  	_ =	swait.ge [sflag:s28], $0x4000  }
0x9c: {  	[sflag:s28] =	ssyncset.done $0x0  }
0x9d: {  	[sflag:s28] =	ssyncadd.s32 $0xFFFFC000  }
0x9e: {  	v3 =	vld [tilespmem:s1+$0xFFFFFFE0];
	_ =	sdelay $0x4  }
0x9f: {  	v61 =	vshll.u32 v3, $0x3  }
0xa0: {  	v3 =	vand.u32 $0x7, v3;
	v4 =	vand.u32 $0xFFFFFFC0, v61  }
0xa1: {  	v3 =	vor.u32 v3, v4  }
0xa2: {  	v4 =	vperm.xlane v3, v0;
	_ =	sdelay $0x1  }
0xa3: {  	v4 =	vadd.s32 v1, v4;
	_ =	sdelay $0x4  }
0xa4: {  	[tilespmem:s0], [sflag:$0x2] =	stream.indirect_vreg.gather [hbm4b:s2+s3], $0x80, v4, vm0, $0xb8;
	[tilespmem:$0x10400] =	vst v63  }
0xa5: {  	s10 =	simm.s32 $0x4C00;
	v3 =	vperm.xlane v3, v2  }
0xa6: {  	[tilespmem:s10], [sflag:$0x2] =	stream.indirect_vreg.gather [hbm4b:s5+s3], $0x80, v4, vm0, $0xb8;
	[tilespmem:$0x10400] =	vst v63  }
0xa7: {  	v3 =	vadd.s32 v1, v3  }
0xa8: {  	[tilespmem:s21], [sflag:$0x2] =	stream.indirect_vreg.gather [hbm4b:s6+s3], $0x80, v4, vm0, $0xb8;
	[tilespmem:$0x10400] =	vst v63  }
0xa9: {  	_ = 	snop  }
0xaa: {  	[tilespmem:s23], [sflag:$0x2] =	stream.indirect_vreg.gather [hbm4b:s7+s3], $0x80, v4, vm0, $0xb8;
	[tilespmem:$0x10400] =	vst v63  }
0xab: {  	s10 =	simm.s32 $0x6400  }
0xac: {  	[tilespmem:s10], [sflag:$0x2] =	stream.indirect_vreg.gather [hbm4b:s2+s3], $0x80, v3, vm0, $0xb8;
	[tilespmem:$0x10400] =	vst v63  }
0xad: {  	_ = 	snop  }
0xae: {  	[tilespmem:s14], [sflag:$0x2] =	stream.indirect_vreg.gather [hbm4b:s5+s3], $0x80, v3, vm0, $0xb8;
	[tilespmem:$0x10400] =	vst v63  }
0xaf: {  	_ = 	snop  }
0xb0: {  	[tilespmem:s11], [sflag:$0x2] =	stream.indirect_vreg.gather [hbm4b:s6+s3], $0x80, v3, vm0, $0xb8;
	[tilespmem:$0x10400] =	vst v63  }
0xb1: {  	s10 =	simm.s32 $0x7C00  }
0xb2: {  	[tilespmem:s10], [sflag:$0x2] =	stream.indirect_vreg.gather [hbm4b:s7+s3], $0x80, v3, vm0, $0xb8;
	[tilespmem:$0x10400] =	vst v63  }
0xb3: {  	_ =	swait.ge [sflag:s31], $0x4000  }
0xb4: {  	[sflag:s31] =	ssyncset.done $0x0  }
0xb5: {  	s10 =	sadd.s32 $0x2000, s9;
	[sflag:s31] =	ssyncadd.s32 $0xFFFFC000  }
0xb6: {  	[hbm4b:s10+s3] =	stream.linear.scatter [tilespmem:s22], [sflag:$0x5], $0x4000, $0x38;
	[tilespmem:$0x10400] =	vst v63  }
0xb7: {  	_ =	swait.ge [sflag:s29], $0x4000  }
0xb8: {  	[sflag:s29] =	ssyncset.done $0x0  }
0xb9: {  	[sflag:s29] =	ssyncadd.s32 $0xFFFFC000  }
0xba: {  	v3 =	vld [tilespmem:s1+$0xFFFFFFF0];
	_ =	sdelay $0x4  }
0xbb: {  	v62 =	vshll.u32 v3, $0x3  }
0xbc: {  	v3 =	vand.u32 $0x7, v3;
	v4 =	vand.u32 $0xFFFFFFC0, v62  }
0xbd: {  	v3 =	vor.u32 v3, v4  }
0xbe: {  	v4 =	vperm.xlane v3, v0;
	_ =	sdelay $0x1  }
0xbf: {  	v4 =	vadd.s32 v1, v4;
	_ =	sdelay $0x4  }
0xc0: {  	[tilespmem:s17], [sflag:$0x3] =	stream.indirect_vreg.gather [hbm4b:s2+s3], $0x80, v4, vm0, $0xb8;
	[tilespmem:$0x10400] =	vst v63  }
0xc1: {  	v3 =	vperm.xlane v3, v2;
	s17 =	simm.s32 $0x8C00  }
0xc2: {  	[tilespmem:s17], [sflag:$0x3] =	stream.indirect_vreg.gather [hbm4b:s5+s3], $0x80, v4, vm0, $0xb8;
	[tilespmem:$0x10400] =	vst v63  }
0xc3: {  	v3 =	vadd.s32 v1, v3;
	s17 =	simm.s32 $0x9400  }
0xc4: {  	[tilespmem:s17], [sflag:$0x3] =	stream.indirect_vreg.gather [hbm4b:s6+s3], $0x80, v4, vm0, $0xb8;
	[tilespmem:$0x10400] =	vst v63  }
0xc5: {  	s17 =	simm.s32 $0x9C00  }
0xc6: {  	[tilespmem:s17], [sflag:$0x3] =	stream.indirect_vreg.gather [hbm4b:s7+s3], $0x80, v4, vm0, $0xb8;
	[tilespmem:$0x10400] =	vst v63  }
0xc7: {  	s17 =	simm.s32 $0xA400  }
0xc8: {  	[tilespmem:s17], [sflag:$0x3] =	stream.indirect_vreg.gather [hbm4b:s2+s3], $0x80, v3, vm0, $0xb8;
	[tilespmem:$0x10400] =	vst v63  }
0xc9: {  	s17 =	simm.s32 $0xAC00  }
0xca: {  	[tilespmem:s17], [sflag:$0x3] =	stream.indirect_vreg.gather [hbm4b:s5+s3], $0x80, v3, vm0, $0xb8;
	[tilespmem:$0x10400] =	vst v63  }
0xcb: {  	s17 =	simm.s32 $0xB400  }
0xcc: {  	[tilespmem:s17], [sflag:$0x3] =	stream.indirect_vreg.gather [hbm4b:s6+s3], $0x80, v3, vm0, $0xb8;
	[tilespmem:$0x10400] =	vst v63  }
0xcd: {  	s17 =	simm.s32 $0xBC00  }
0xce: {  	[tilespmem:s17], [sflag:$0x3] =	stream.indirect_vreg.gather [hbm4b:s7+s3], $0x80, v3, vm0, $0xb8;
	[tilespmem:$0x10400] =	vst v63  }
0xcf: {  	_ =	swait.ge [sflag:s13], $0x4000  }
0xd0: {  	[sflag:s13] =	ssyncset.done $0x0  }
0xd1: {  	s9 =	sadd.s32 $0x2800, s9;
	[sflag:s13] =	ssyncadd.s32 $0xFFFFC000  }
0xd2: {  	[hbm4b:s9+s3] =	stream.linear.scatter [tilespmem:s0], [sflag:$0x6], $0x4000, $0x38;
	[tilespmem:$0x10400] =	vst v63  }
0xd3: {  	_ =	swait.ge [sflag:s30], $0x4000  }
0xd4: {  	[sflag:s30] =	ssyncset.done $0x0  }
0xd5: {  	[sflag:s30] =	ssyncadd.s32 $0xFFFFC000  }
0xd6: {  	v3 =	vld [tilespmem:s1+$0x0];
	_ =	sdelay $0x4  }
0xd7: {  	v63 =	vshll.u32 v3, $0x3  }
0xd8: {  	v3 =	vand.u32 $0x7, v3;
	v4 =	vand.u32 $0xFFFFFFC0, v63  }
0xd9: {  	v3 =	vor.u32 v3, v4  }
0xda: {  	v4 =	vperm.xlane v3, v0;
	_ =	sdelay $0x1  }
0xdb: {  	v4 =	vadd.s32 v1, v4;
	_ =	sdelay $0x4  }
0xdc: {  	[tilespmem:s15], [sflag:$0x4] =	stream.indirect_vreg.gather [hbm4b:s2+s3], $0x80, v4, vm0, $0xb8;
	[tilespmem:$0x10400] =	vst v63  }
0xdd: {  	s17 =	simm.s32 $0xCC00;
	v3 =	vperm.xlane v3, v2  }
0xde: {  	[tilespmem:s17], [sflag:$0x4] =	stream.indirect_vreg.gather [hbm4b:s5+s3], $0x80, v4, vm0, $0xb8;
	[tilespmem:$0x10400] =	vst v63  }
0xdf: {  	v3 =	vadd.s32 v1, v3;
	s17 =	simm.s32 $0xD400  }
0xe0: {  	[tilespmem:s17], [sflag:$0x4] =	stream.indirect_vreg.gather [hbm4b:s6+s3], $0x80, v4, vm0, $0xb8;
	[tilespmem:$0x10400] =	vst v63  }
0xe1: {  	s17 =	simm.s32 $0xDC00  }
0xe2: {  	[tilespmem:s17], [sflag:$0x4] =	stream.indirect_vreg.gather [hbm4b:s7+s3], $0x80, v4, vm0, $0xb8;
	[tilespmem:$0x10400] =	vst v63  }
0xe3: {  	s17 =	simm.s32 $0xE400  }
0xe4: {  	[tilespmem:s17], [sflag:$0x4] =	stream.indirect_vreg.gather [hbm4b:s2+s3], $0x80, v3, vm0, $0xb8;
	[tilespmem:$0x10400] =	vst v63  }
0xe5: {  	p0 =	sne.s32 s4, $0x1C000;
	s17 =	simm.s32 $0xEC00  }
0xe6: {  	[tilespmem:s17], [sflag:$0x4] =	stream.indirect_vreg.gather [hbm4b:s5+s3], $0x80, v3, vm0, $0xb8;
	[tilespmem:$0x10400] =	vst v63  }
.Ltmp0:
0xe7: {  	_ = 	snop;
	(pc) =	sbr.rel @p0 .LBB2_2-.Ltmp0, $4  }
0xe8: {  	_ = 	snop  }
0xe9: {  	[tilespmem:s20], [sflag:$0x4] =	stream.indirect_vreg.gather [hbm4b:s6+s3], $0x80, v3, vm0, $0xb8;
	[tilespmem:$0x10400] =	vst v63  }
0xea: {  	s4 =	sadd.s32 $0x2000, s4;
	s10 =	simm.s32 $0x8400;
	s1 =	sadd.s32 $0x40, s1  }
0xeb: {  	[tilespmem:s18], [sflag:$0x4] =	stream.indirect_vreg.gather [hbm4b:s7+s3], $0x80, v3, vm0, $0xb8;
	[tilespmem:$0x10400] =	vst v63  }
0xec: {  	_ =	swait.ge [sflag:s24], $0x4000  }
0xed: {  	[sflag:s24] =	ssyncset.done $0x0  }
0xee: {  	s1 =	rddreg [dreg:$0x8];
	[sflag:s24] =	ssyncadd.s32 $0xFFFFC000  }
0xef: {  	[hbm4b:s1+s3] =	stream.linear.scatter [tilespmem:s10], [sflag:$0x7], $0x4000, $0x38;
	[tilespmem:$0x10400] =	vst v63  }
0xf0: {  	_ =	swait.ge [sflag:s26], $0x4000  }
0xf1: {  	[sflag:s26] =	ssyncset.done $0x0  }
0xf2: {  	s22 =	rddreg [dreg:$0x9];
	[sflag:s26] =	ssyncadd.s32 $0xFFFFC000  }
0xf3: {  	[hbm4b:s22+s3] =	stream.linear.scatter [tilespmem:s15], [sflag:$0x8], $0x4000, $0x38;
	[tilespmem:$0x10400] =	vst v63  }
0xf4: {  	_ =	swait.ge [sflag:s25], $0x4000  }
0xf5: {  	[sflag:s25] =	ssyncset.done $0x0  }
0xf6: {  	[sflag:s25] =	ssyncadd.s32 $0xFFFFC000  }
0xf7: {  	_ =	swait.ge [sflag:s28], $0x4000  }
0xf8: {  	[sflag:s28] =	ssyncset.done $0x0  }
0xf9: {  	[sflag:s28] =	ssyncadd.s32 $0xFFFFC000  }
0xfa: {  	_ =	swait.ge [sflag:s29], $0x4000  }
0xfb: {  	[sflag:s29] =	ssyncset.done $0x0  }
0xfc: {  	[sflag:s29] =	ssyncadd.s32 $0xFFFFC000  }
0xfd: {  	_ =	swait.ge [sflag:s30], $0x4000  }
0xfe: {  	s4 =	simm.s32 $0xC00;
	s0 =	rddreg [dreg:$0xb]  }
0xff: {  	s9 =	simm.s32 $0x1400;
	s23 =	rddreg [dreg:$0xa];
	s0 =	sadd.s32 $0x1, s0  }
0x100: {  	s8 =	simm.s32 $0x1C00;
	s11 =	simm.s32 $0x2C00;
	p0 =	sne.s32 s0, s23  }
.Ltmp1:
0x101: {  	s12 =	simm.s32 $0x3400;
	s16 =	simm.s32 $0x3C00;
	(pc) =	sbr.rel @p0 .LBB2_1-.Ltmp1, $4  }
0x102: {  	s17 =	simm.s32 $0x4C00;
	s18 =	simm.s32 $0x5400;
	s19 =	simm.s32 $0x5C00  }
0x103: {  	s14 =	simm.s32 $0x6400;
	s20 =	simm.s32 $0x400;
	[sflag:s30] =	ssyncset.done $0x0  }
0x104: {  	s21 =	simm.s32 $0x6C00;
	s22 =	simm.s32 $0x2400;
	[sflag:s30] =	ssyncadd.s32 $0xFFFFC000  }
0x105: {  	[dreg:$0xb] =	wrdreg s0;
	s0 =	simm.s32 $0x4400;
	s23 =	simm.s32 $0x7400  }
0x106: {  	_ =	sfence.sel $0x180000  }
0x107: {  	[bflag:$0x0] =	sbarrier.arrive $0xFFFF  }
0x108: {  	_ =	strace $0x90000047  }
0x109: {  	s0 =	stileid.u32;
	[bflag:$0x2] =	sbarrier.arrive $0xFFFF  }
0x10a: {  	p0 =	sne.s32 s0, $0x0;
	s0 =	rddreg [dreg:$0x3]  }
0x10b: {  	s0 =	sadd.s32 @!p0 $0x100000, s0  }
0x10c: {  	[sflag:s0] =	ssyncadd.tile.s32 @!p0 $0x1;
	_ =	shalt  }
.Lfunc_end2:
_tile_overlayer_lowered:
.L_overlay_start_2:
0x10d: {  	(tag) =	ssettag $0x2  }
0x10e: {  	s0 =	rddreg [dreg:$0x0];
	s2 =	stileid.u32  }
0x10f: {  	s1 =	rddreg [dreg:$0x1];
	p0 =	sne.s32 s2, $0x0  }
0x110: {  	s3 =	rddreg [dreg:$0x2];
	[bflag:$0x3] =	sbarrier.arrive $0xFFFF;
	s2 =	simm.s32 @!p0 $0x1C09  }
0x111: {  	[timem:s3], [sflag:s2] =	dma.local @!p0 [hbm:s0], s1  }
0x112: {  	s0 =	simm.s32 @!p0 $0x9  }
0x113: {  	_ =	swait.ge @!p0 [sflag:s0], s1  }
0x114: {  	s1 =	ssub.s32 @!p0 $0x0, s1;
	[sflag:s0] =	ssyncset.done @!p0 $0x0  }
0x115: {  	[sflag:s0] =	ssyncadd.s32 @!p0 s1  }
0x116: {  	[bflag:$0x3] =	sbarrier.arrive $0xFFFF  }
0x117: {  	_ =	shalt  }

</sc_bundles>
